<compile_context>
chip_gen: v7x
topology: tpu7x:2x2x1
jax: 0.10.2.dev20260603
libtpu: 0.0.44.dev20260713+nightly
codegen_flags: <defaults>
</compile_context>

<pallas_src>
import functools

import jax
import jax.numpy as jnp
from jax import lax
from jax.experimental import pallas as pl
from jax.experimental.pallas import tpu as pltpu
from jax.experimental.pallas import tpu_sc as plsc

L = 16



def _prep1_body(x_ref, w1_ref, g_ref, g2_ref, t1_ref, t2_ref):
  h = jnp.dot(x_ref[...], w1_ref[...], preferred_element_type=jnp.float32,
              precision=lax.Precision.HIGHEST)
  t1_ref[...] = jnp.dot(h, g_ref[...], preferred_element_type=jnp.float32,
                        precision=lax.Precision.HIGHEST)
  t2_ref[...] = jnp.dot(h, g2_ref[...], preferred_element_type=jnp.float32,
                        precision=lax.Precision.HIGHEST)


def _mid_body(p0_ref, p1_ref, s1_ref, s2_ref, b1_ref, w2e_ref, w2d_ref,
              u1e_ref, td2_ref):
  acc = p0_ref[...] + p1_ref[...]
  denex = jnp.dot(acc, s1_ref[...], preferred_element_type=jnp.float32,
                  precision=lax.Precision.HIGHEST)
  num = jnp.dot(acc, s2_ref[...], preferred_element_type=jnp.float32,
                precision=lax.Precision.HIGHEST)
  out1 = num / (denex + 1e-16) + b1_ref[...]
  hm = jnp.where(out1 > 0, out1, jnp.exp(out1) - 1.0)
  u1e_ref[...] = jnp.dot(hm, w2e_ref[...], preferred_element_type=jnp.float32,
                         precision=lax.Precision.HIGHEST)
  td2_ref[...] = jnp.dot(hm, w2d_ref[...], preferred_element_type=jnp.float32,
                         precision=lax.Precision.HIGHEST)


def _final_body(q0_ref, q1_ref, s3_ref, s4_ref, b2_ref, out_ref):
  acc = q0_ref[...] + q1_ref[...]
  num = jnp.dot(acc, s3_ref[...], preferred_element_type=jnp.float32,
                precision=lax.Precision.HIGHEST)
  den = jnp.dot(acc, s4_ref[...], preferred_element_type=jnp.float32,
                precision=lax.Precision.HIGHEST)
  o = num / (den + 1e-16) + b2_ref[...]
  m = jnp.max(o, axis=1, keepdims=True)
  ex = jnp.exp(o - m)
  out_ref[...] = ex / jnp.sum(ex, axis=1, keepdims=True)




def _lane_gather(v, idx):
  return jnp.take_along_axis(v, idx, axis=0, mode="promise_in_bounds")


def _edge1_kernel(n_pad, ept, k_chunk, t1, t2, ei_s, ei_d, zrows):
  n_ch = ept // k_chunk
  rows_per_tile = n_pad // 16
  mesh = plsc.VectorSubcoreMesh(core_axis_name="c", subcore_axis_name="s")

  @functools.partial(
      pl.kernel,
      out_type=jax.ShapeDtypeStruct((2, n_pad, 80), jnp.float32),
      mesh=mesh,
      compiler_params=pltpu.CompilerParams(use_tc_tiling_on_sc=False),
      scratch_types=[
          pltpu.VMEM((k_chunk,), jnp.int32),
          pltpu.VMEM((k_chunk,), jnp.int32),
          pltpu.VMEM((k_chunk, 80), jnp.float32),
          pltpu.VMEM((k_chunk, 16), jnp.float32),
          pltpu.VMEM((k_chunk, 80), jnp.float32),
          pltpu.VMEM_SHARED((n_pad, 80), jnp.float32),
      ],
  )
  def body(t1_hbm, t2_hbm, eis_hbm, eid_hbm, z_hbm, out_hbm,
           idx_s, idx_d, rows1, rowsd, stage, acc):
    c = lax.axis_index("c")
    s = lax.axis_index("s")
    wid = c * 16 + s
    r0 = s * rows_per_tile
    pltpu.sync_copy(z_hbm.at[pl.ds(0, rows_per_tile)],
                    acc.at[pl.ds(r0, rows_per_tile)])
    plsc.subcore_barrier()

    lane = lax.iota(jnp.int32, L)
    half = lane >> 3

    def edge_body(k, _):
      va = rows1[k, pl.ds(0, 16)]
      vd = rowsd[k]
      e = va + vd
      e = jnp.where(e < 0, 0.2 * e, e)
      w = jnp.exp(e)
      stage[k, pl.ds(0, 16)] = w
      for j in range(4):
        wj = _lane_gather(w, half + 2 * j)
        hj = rows1[k, pl.ds(16 + 16 * j, 16)]
        stage[k, pl.ds(16 + 16 * j, 16)] = wj * hj
      return 0

    def chunk_body(i, _):
      base = wid * ept + i * k_chunk
      pltpu.sync_copy(eis_hbm.at[pl.ds(base, k_chunk)], idx_s)
      pltpu.sync_copy(eid_hbm.at[pl.ds(base, k_chunk)], idx_d)
      pltpu.sync_copy(t1_hbm.at[idx_s], rows1)
      pltpu.sync_copy(t2_hbm.at[idx_d], rowsd)
      lax.fori_loop(0, k_chunk, edge_body, 0)
      pltpu.sync_copy(stage, acc.at[idx_d], add=True)
      return 0

    lax.fori_loop(0, n_ch, chunk_body, 0)
    plsc.subcore_barrier()
    pltpu.sync_copy(acc.at[pl.ds(r0, rows_per_tile)],
                    out_hbm.at[c, pl.ds(r0, rows_per_tile)])

  return body(t1, t2, ei_s, ei_d, zrows)


def _edge2_kernel(n_pad, ept, k_chunk, u1e, td2, ei_s, ei_d, zrows):
  n_ch = ept // k_chunk
  rows_per_tile = n_pad // 16
  mesh = plsc.VectorSubcoreMesh(core_axis_name="c", subcore_axis_name="s")

  @functools.partial(
      pl.kernel,
      out_type=jax.ShapeDtypeStruct((2, n_pad, 32), jnp.float32),
      mesh=mesh,
      compiler_params=pltpu.CompilerParams(use_tc_tiling_on_sc=False),
      scratch_types=[
          pltpu.VMEM((k_chunk,), jnp.int32),
          pltpu.VMEM((k_chunk,), jnp.int32),
          pltpu.VMEM((k_chunk, 32), jnp.float32),
          pltpu.VMEM((k_chunk, 16), jnp.float32),
          pltpu.VMEM((k_chunk, 32), jnp.float32),
          pltpu.VMEM_SHARED((n_pad, 32), jnp.float32),
      ],
  )
  def body(u1_hbm, td2_hbm, eis_hbm, eid_hbm, z_hbm, out_hbm,
           idx_s, idx_d, rowsu, rowsd2, stage, acc):
    c = lax.axis_index("c")
    s = lax.axis_index("s")
    wid = c * 16 + s
    r0 = s * rows_per_tile
    pltpu.sync_copy(z_hbm.at[pl.ds(0, rows_per_tile)],
                    acc.at[pl.ds(r0, rows_per_tile)])
    plsc.subcore_barrier()

    lane = lax.iota(jnp.int32, L)
    zero16 = lane >> 4

    def edge_body(k, _):
      vu = rowsu[k, pl.ds(0, 16)]
      va = rowsu[k, pl.ds(16, 16)]
      vd = rowsd2[k]
      e = va + vd
      e = jnp.where(e < 0, 0.2 * e, e)
      w = jnp.exp(e)
      wk = _lane_gather(w, zero16)
      stage[k, pl.ds(0, 16)] = wk * vu
      stage[k, pl.ds(16, 16)] = wk
      return 0

    def chunk_body(i, _):
      base = wid * ept + i * k_chunk
      pltpu.sync_copy(eis_hbm.at[pl.ds(base, k_chunk)], idx_s)
      pltpu.sync_copy(eid_hbm.at[pl.ds(base, k_chunk)], idx_d)
      pltpu.sync_copy(u1_hbm.at[idx_s], rowsu)
      pltpu.sync_copy(td2_hbm.at[idx_d], rowsd2)
      lax.fori_loop(0, k_chunk, edge_body, 0)
      pltpu.sync_copy(stage, acc.at[idx_d], add=True)
      return 0

    lax.fori_loop(0, n_ch, chunk_body, 0)
    plsc.subcore_barrier()
    pltpu.sync_copy(acc.at[pl.ds(r0, rows_per_tile)],
                    out_hbm.at[c, pl.ds(r0, rows_per_tile)])

  return body(u1e, td2, ei_s, ei_d, zrows)




def kernel(x, edge_index, W1, a_src1, a_dst1, b1, W2, a_src2, a_dst2, b2):
  n, d = x.shape
  e_cnt = edge_index.shape[1]
  hid = W1.shape[1]
  ncls = W2.shape[1]

  n_pad = ((n + 511) // 512) * 512
  ept = e_cnt // 32
  k_chunk = 80
  blk = 256
  n_blk = n_pad // blk

  ar = jnp.arange(hid)
  As1m = jnp.zeros((hid, 8), jnp.float32).at[ar, ar // 8].set(a_src1.reshape(-1))
  Ad1m = jnp.zeros((hid, 8), jnp.float32).at[ar, ar // 8].set(a_dst1.reshape(-1))
  G = jnp.concatenate([As1m, Ad1m, jnp.eye(hid, dtype=jnp.float32)], axis=1)
  G2 = jnp.concatenate([Ad1m, Ad1m], axis=1)
  S1 = jnp.zeros((80, hid), jnp.float32).at[ar // 8, ar].set(1.0)
  S2 = jnp.zeros((80, hid), jnp.float32).at[16 + ar, ar].set(1.0)
  W2e = jnp.concatenate(
      [W2, W2 @ a_src2.T, jnp.zeros((hid, 15), jnp.float32)], axis=1)
  W2d = jnp.concatenate(
      [W2 @ a_dst2.T, jnp.zeros((hid, 15), jnp.float32)], axis=1)
  ar16 = jnp.arange(ncls)
  S3 = jnp.zeros((32, ncls), jnp.float32).at[ar16, ar16].set(1.0)
  S4 = jnp.zeros((32, ncls), jnp.float32).at[16, :].set(1.0)
  b1row = b1.reshape(1, hid)
  b2row = b2.reshape(1, ncls)

  x_pad = jnp.pad(x, ((0, n_pad - n), (0, 0)))
  zrows80 = jnp.zeros((n_pad // 16, 80), jnp.float32)
  zrows32 = jnp.zeros((n_pad // 16, 32), jnp.float32)

  full = lambda shp: pl.BlockSpec(shp, lambda i: (0, 0))
  rowblk = lambda w: pl.BlockSpec((blk, w), lambda i: (i, 0))

  t1, t2 = pl.pallas_call(
      _prep1_body,
      grid=(n_blk,),
      in_specs=[rowblk(d), full((d, hid)), full((hid, 80)), full((hid, 16))],
      out_specs=[rowblk(80), rowblk(16)],
      out_shape=[
          jax.ShapeDtypeStruct((n_pad, 80), jnp.float32),
          jax.ShapeDtypeStruct((n_pad, 16), jnp.float32),
      ],
  )(x_pad, W1, G, G2)

  ei_s = edge_index[0]
  ei_d = edge_index[1]
  p1 = _edge1_kernel(n_pad, ept, k_chunk, t1, t2, ei_s, ei_d, zrows80)

  u1e, td2 = pl.pallas_call(
      _mid_body,
      grid=(n_blk,),
      in_specs=[rowblk(80), rowblk(80), full((80, hid)), full((80, hid)),
                pl.BlockSpec((1, hid), lambda i: (0, 0)), full((hid, 32)),
                full((hid, 16))],
      out_specs=[rowblk(32), rowblk(16)],
      out_shape=[
          jax.ShapeDtypeStruct((n_pad, 32), jnp.float32),
          jax.ShapeDtypeStruct((n_pad, 16), jnp.float32),
      ],
  )(p1[0], p1[1], S1, S2, b1row, W2e, W2d)

  p2 = _edge2_kernel(n_pad, ept, k_chunk, u1e, td2, ei_s, ei_d, zrows32)

  out = pl.pallas_call(
      _final_body,
      grid=(n_blk,),
      in_specs=[rowblk(32), rowblk(32), full((32, ncls)), full((32, ncls)),
                pl.BlockSpec((1, ncls), lambda i: (0, 0))],
      out_specs=rowblk(ncls),
      out_shape=jax.ShapeDtypeStruct((n_pad, ncls), jnp.float32),
  )(p2[0], p2[1], S3, S4, b2row)

  return out[:n]

# --- scband reference (transcript-rebuilt; emitter-appended) ---
"""Pipeline reference for scband-gat-79078937854206 (READ-ONLY COPY).

The authoritative reference and input builder live on the scoring server;
editing this copy changes nothing except your own understanding.
"""

import jax, jax.numpy as jnp
import numpy as np

N = 10000
E = 320000
D = 128
H1 = 8
C1 = 8
NUM_CLASSES = 16


def setup_inputs(seed: int = 0) -> dict:
    key = jax.random.key(seed)
    ks = jax.random.split(key, 12)
    x = jax.random.normal(ks[0], (N, D), dtype=jnp.float32)
    edge_index = jax.random.randint(ks[1], (2, E), 0, N, dtype=jnp.int32)
    # conv1: in=128, out=8, heads=8 (concat) -> hidden dim 64
    W1 = jax.random.normal(ks[2], (D, H1 * C1), dtype=jnp.float32) * (1.0 / np.sqrt(D))
    a_src1 = jax.random.normal(ks[3], (H1, C1), dtype=jnp.float32) * 0.1
    a_dst1 = jax.random.normal(ks[4], (H1, C1), dtype=jnp.float32) * 0.1
    b1 = jnp.zeros((H1 * C1,), dtype=jnp.float32)
    # conv2: in=64, out=num_classes, heads=1, concat=False
    W2 = jax.random.normal(ks[5], (H1 * C1, NUM_CLASSES), dtype=jnp.float32) * (1.0 / np.sqrt(H1 * C1))
    a_src2 = jax.random.normal(ks[6], (1, NUM_CLASSES), dtype=jnp.float32) * 0.1
    a_dst2 = jax.random.normal(ks[7], (1, NUM_CLASSES), dtype=jnp.float32) * 0.1
    b2 = jnp.zeros((NUM_CLASSES,), dtype=jnp.float32)
    return {"x": x, "edge_index": edge_index, "W1": W1, "a_src1": a_src1, "a_dst1": a_dst1, "b1": b1, "W2": W2, "a_src2": a_src2, "a_dst2": a_dst2, "b2": b2}


def _gat_conv(x, edge_index, W, a_s, a_d, b, heads, out_ch, concat):
    src = edge_index[0]
    dst = edge_index[1]
    n = x.shape[0]
    h = (x @ W).reshape(n, heads, out_ch)
    alpha_src = jnp.sum(h * a_s[None, :, :], axis=-1)  # [N, H]
    alpha_dst = jnp.sum(h * a_d[None, :, :], axis=-1)  # [N, H]
    e = alpha_src[src] + alpha_dst[dst]                # [E, H]
    e = jax.nn.leaky_relu(e, negative_slope=0.2)
    # softmax over incoming edges per destination node
    emax = jax.ops.segment_max(e, dst, num_segments=n)
    emax = jnp.where(jnp.isfinite(emax), emax, 0.0)
    ex = jnp.exp(e - emax[dst])
    denom = jax.ops.segment_sum(ex, dst, num_segments=n)
    alpha = ex / (denom[dst] + 1e-16)                  # [E, H]
    msg = h[src] * alpha[:, :, None]                   # [E, H, C]
    out = jax.ops.segment_sum(msg, dst, num_segments=n)  # [N, H, C]
    if concat:
        out = out.reshape(n, heads * out_ch)
    else:
        out = out.mean(axis=1)
    return out + b[None, :]


def reference(x, edge_index, W1, a_src1, a_dst1, b1, W2, a_src2, a_dst2, b2):
    # dropout is identity in eval mode
    h = _gat_conv(x, edge_index, W1, a_src1, a_dst1, b1, H1, C1, True)
    h = jax.nn.elu(h)
    out = _gat_conv(h, edge_index, W2, a_src2, a_dst2, b2, 1, NUM_CLASSES, False)
    return jax.nn.softmax(out, axis=1)

if __name__ == "__main__":
    import jax
    _d = setup_inputs()
    print(jax.jit(kernel)(*tuple(_d.values())))

</pallas_src>

<mosaic_0001>
#map = affine_map<(d0, d1) -> (0, 0)>
#map1 = affine_map<(d0, d1) -> (0)>
#map2 = affine_map<(d0, d1) -> (0, 0, 0)>
module attributes {stable_mosaic.version = 14 : i64} {
  func.func @body(%arg0: i32, %arg1: i32, %arg2: memref<10240x80xf32, #tpu.memory_space<hbm>>, %arg3: memref<10240x16xf32, #tpu.memory_space<hbm>>, %arg4: memref<320000xi32, #tpu.memory_space<hbm>>, %arg5: memref<320000xi32, #tpu.memory_space<hbm>>, %arg6: memref<640x80xf32, #tpu.memory_space<hbm>>, %arg7: memref<2x10240x80xf32, #tpu.memory_space<hbm>>, %arg8: memref<80xi32, #tpu.memory_space<vmem>>, %arg9: memref<80xi32, #tpu.memory_space<vmem>>, %arg10: memref<80x80xf32, #tpu.memory_space<vmem>>, %arg11: memref<80x16xf32, #tpu.memory_space<vmem>>, %arg12: memref<80x80xf32, #tpu.memory_space<vmem>>, %arg13: memref<10240x80xf32, #tpu.memory_space<vmem_shared>>) attributes {dimension_semantics = [#tpu.dimension_semantics<core_parallel>, #tpu.dimension_semantics<subcore_parallel>], iteration_bounds = array<i64: 2, 16>, scalar_prefetch = 0 : i64, scratch_operands = 6 : i64, tpu.core_type = #tpu.core_type<sc_vector_subcore>, window_params = [{transform_indices = #map}, {transform_indices = #map}, {transform_indices = #map1}, {transform_indices = #map1}, {transform_indices = #map}, {transform_indices = #map2}]} {
    %mul3A = arith.constant 16 : i32
    %mul3A_0 = arith.muli %arg0, %mul3A : i32
    %add3A = arith.addi %mul3A_0, %arg1 : i32
    %mul3A_1 = arith.constant 640 : i32
    %mul3A_2 = arith.muli %arg1, %mul3A_1 : i32
    "tpu.region"() ({
      %run_scoped3A = tpu.sem_alloc : memref<!tpu.dma_semaphore, #tpu.memory_space<semaphore_mem>>
      %dma_start3A = arith.constant 0 : i32
      %dma_start3A_12 = tpu.memref_slice %arg13[%mul3A_2, %dma_start3A] : memref<10240x80xf32, #tpu.memory_space<vmem_shared>> -> memref<640x80xf32, #tpu.memory_space<vmem_shared>>
      %dma_start3A_13 = arith.constant 0 : i32
      %dma_start3A_14 = arith.constant 0 : i32
      %dma_start3A_15 = tpu.memref_slice %arg6[%dma_start3A_13, %dma_start3A_14] : memref<640x80xf32, #tpu.memory_space<hbm>> -> memref<640x80xf32, #tpu.memory_space<hbm>>
      tpu.enqueue_dma source(%dma_start3A_15 : memref<640x80xf32, #tpu.memory_space<hbm>>) target(%dma_start3A_12 : memref<640x80xf32, #tpu.memory_space<vmem_shared>>) target_semaphore(%run_scoped3A : memref<!tpu.dma_semaphore, #tpu.memory_space<semaphore_mem>>)
      %dma_wait3A = arith.constant 0 : i32
      %dma_wait3A_16 = tpu.memref_slice %arg13[%mul3A_2, %dma_wait3A] : memref<10240x80xf32, #tpu.memory_space<vmem_shared>> -> memref<640x80xf32, #tpu.memory_space<vmem_shared>>
      %dma_wait3A_17 = arith.constant 0 : i32
      %dma_wait3A_18 = arith.constant 0 : i32
      %dma_wait3A_19 = tpu.memref_slice %arg6[%dma_wait3A_17, %dma_wait3A_18] : memref<640x80xf32, #tpu.memory_space<hbm>> -> memref<640x80xf32, #tpu.memory_space<hbm>>
      tpu.wait_dma2 semaphore(%run_scoped3A : memref<!tpu.dma_semaphore, #tpu.memory_space<semaphore_mem>>) src(%dma_wait3A_19 : memref<640x80xf32, #tpu.memory_space<hbm>>) dst(%dma_wait3A_16 : memref<640x80xf32, #tpu.memory_space<vmem_shared>>)
      tpu.yield
    }) : () -> ()
    %barrier3A = arith.constant 0 : index
    tpu.barrier barrier_id(%barrier3A)
    %iota3A = tpu.iota {dimensions = array<i32: 0>} : vector<16xi32>
    %shift_right_arithmetic3A = arith.constant 3 : i32
    %shift_right_arithmetic3A_3 = vector.broadcast %shift_right_arithmetic3A : i32 to vector<16xi32>
    %shift_right_arithmetic3A_4 = arith.shrsi %iota3A, %shift_right_arithmetic3A_3 : vector<16xi32>
    %scan3A = arith.constant 0 : i32
    %scan3A_5 = arith.constant 0 : i32
    %scan3A_6 = arith.constant 125 : i32
    %scan3A_7 = arith.addi %scan3A_5, %scan3A_6 : i32
    %scan3A_8 = arith.constant 1 : i32
    %scan3A_9 = scf.for %scan3A_12 = %scan3A_5 to %scan3A_7 step %scan3A_8 iter_args(%scan3A_13 = %scan3A) -> (i32)  : i32 {
      %mul3A_14 = arith.constant 10000 : i32
      %mul3A_15 = arith.muli %add3A, %mul3A_14 : i32
      %mul3A_16 = arith.constant 80 : i32
      %mul3A_17 = arith.muli %scan3A_12, %mul3A_16 : i32
      %add3A_18 = arith.addi %mul3A_15, %mul3A_17 : i32
      "tpu.region"() ({
        %run_scoped3A = tpu.sem_alloc : memref<!tpu.dma_semaphore, #tpu.memory_space<semaphore_mem>>
        %dma_start3A = tpu.memref_slice %arg4[%add3A_18] : memref<320000xi32, #tpu.memory_space<hbm>> -> memref<80xi32, #tpu.memory_space<hbm>>
        %dma_start3A_27 = tpu.memref_slice %arg4[%add3A_18] : memref<320000xi32, #tpu.memory_space<hbm>> -> memref<80xi32, #tpu.memory_space<hbm>>
        tpu.enqueue_dma source(%dma_start3A_27 : memref<80xi32, #tpu.memory_space<hbm>>) target(%arg8 : memref<80xi32, #tpu.memory_space<vmem>>) target_semaphore(%run_scoped3A : memref<!tpu.dma_semaphore, #tpu.memory_space<semaphore_mem>>)
        %dma_wait3A = tpu.memref_slice %arg4[%add3A_18] : memref<320000xi32, #tpu.memory_space<hbm>> -> memref<80xi32, #tpu.memory_space<hbm>>
        %dma_wait3A_28 = tpu.memref_slice %arg4[%add3A_18] : memref<320000xi32, #tpu.memory_space<hbm>> -> memref<80xi32, #tpu.memory_space<hbm>>
        tpu.wait_dma2 semaphore(%run_scoped3A : memref<!tpu.dma_semaphore, #tpu.memory_space<semaphore_mem>>) src(%dma_wait3A_28 : memref<80xi32, #tpu.memory_space<hbm>>) dst(%arg8 : memref<80xi32, #tpu.memory_space<vmem>>)
        tpu.yield
      }) : () -> ()
      "tpu.region"() ({
        %run_scoped3A = tpu.sem_alloc : memref<!tpu.dma_semaphore, #tpu.memory_space<semaphore_mem>>
        %dma_start3A = tpu.memref_slice %arg5[%add3A_18] : memref<320000xi32, #tpu.memory_space<hbm>> -> memref<80xi32, #tpu.memory_space<hbm>>
        %dma_start3A_27 = tpu.memref_slice %arg5[%add3A_18] : memref<320000xi32, #tpu.memory_space<hbm>> -> memref<80xi32, #tpu.memory_space<hbm>>
        tpu.enqueue_dma source(%dma_start3A_27 : memref<80xi32, #tpu.memory_space<hbm>>) target(%arg9 : memref<80xi32, #tpu.memory_space<vmem>>) target_semaphore(%run_scoped3A : memref<!tpu.dma_semaphore, #tpu.memory_space<semaphore_mem>>)
        %dma_wait3A = tpu.memref_slice %arg5[%add3A_18] : memref<320000xi32, #tpu.memory_space<hbm>> -> memref<80xi32, #tpu.memory_space<hbm>>
        %dma_wait3A_28 = tpu.memref_slice %arg5[%add3A_18] : memref<320000xi32, #tpu.memory_space<hbm>> -> memref<80xi32, #tpu.memory_space<hbm>>
        tpu.wait_dma2 semaphore(%run_scoped3A : memref<!tpu.dma_semaphore, #tpu.memory_space<semaphore_mem>>) src(%dma_wait3A_28 : memref<80xi32, #tpu.memory_space<hbm>>) dst(%arg9 : memref<80xi32, #tpu.memory_space<vmem>>)
        tpu.yield
      }) : () -> ()
      "tpu.region"() ({
        %run_scoped3A = tpu.sem_alloc : memref<!tpu.dma_semaphore, #tpu.memory_space<semaphore_mem>>
        %dma_start3A = arith.constant 0 : i32
        %dma_start3A_27 = arith.constant 0 : i32
        %dma_start3A_28 = tpu.memref_slice %arg2[%dma_start3A, %dma_start3A_27] : memref<10240x80xf32, #tpu.memory_space<hbm>> -> memref<10240x80xf32, #tpu.memory_space<hbm>>
        tpu.enqueue_indirect_dma source(%dma_start3A_28 : memref<10240x80xf32, #tpu.memory_space<hbm>>) target(%arg10 : memref<80x80xf32, #tpu.memory_space<vmem>>) offsets(%arg8 : memref<80xi32, #tpu.memory_space<vmem>>) semaphore(%run_scoped3A : memref<!tpu.dma_semaphore, #tpu.memory_space<semaphore_mem>>)
        %dma_wait3A = arith.constant 0 : i32
        %dma_wait3A_29 = arith.constant 0 : i32
        %dma_wait3A_30 = tpu.memref_slice %arg2[%dma_wait3A, %dma_wait3A_29] : memref<10240x80xf32, #tpu.memory_space<hbm>> -> memref<10240x80xf32, #tpu.memory_space<hbm>>
        tpu.wait_indirect_dma semaphore(%run_scoped3A : memref<!tpu.dma_semaphore, #tpu.memory_space<semaphore_mem>>) src(%dma_wait3A_30 : memref<10240x80xf32, #tpu.memory_space<hbm>>) dst(%arg10 : memref<80x80xf32, #tpu.memory_space<vmem>>)
        tpu.yield
      }) : () -> ()
      "tpu.region"() ({
        %run_scoped3A = tpu.sem_alloc : memref<!tpu.dma_semaphore, #tpu.memory_space<semaphore_mem>>
        %dma_start3A = arith.constant 0 : i32
        %dma_start3A_27 = arith.constant 0 : i32
        %dma_start3A_28 = tpu.memref_slice %arg3[%dma_start3A, %dma_start3A_27] : memref<10240x16xf32, #tpu.memory_space<hbm>> -> memref<10240x16xf32, #tpu.memory_space<hbm>>
        tpu.enqueue_indirect_dma source(%dma_start3A_28 : memref<10240x16xf32, #tpu.memory_space<hbm>>) target(%arg11 : memref<80x16xf32, #tpu.memory_space<vmem>>) offsets(%arg9 : memref<80xi32, #tpu.memory_space<vmem>>) semaphore(%run_scoped3A : memref<!tpu.dma_semaphore, #tpu.memory_space<semaphore_mem>>)
        %dma_wait3A = arith.constant 0 : i32
        %dma_wait3A_29 = arith.constant 0 : i32
        %dma_wait3A_30 = tpu.memref_slice %arg3[%dma_wait3A, %dma_wait3A_29] : memref<10240x16xf32, #tpu.memory_space<hbm>> -> memref<10240x16xf32, #tpu.memory_space<hbm>>
        tpu.wait_indirect_dma semaphore(%run_scoped3A : memref<!tpu.dma_semaphore, #tpu.memory_space<semaphore_mem>>) src(%dma_wait3A_30 : memref<10240x16xf32, #tpu.memory_space<hbm>>) dst(%arg11 : memref<80x16xf32, #tpu.memory_space<vmem>>)
        tpu.yield
      }) : () -> ()
      %scan3A_19 = arith.constant 0 : i32
      %scan3A_20 = arith.constant 0 : i32
      %scan3A_21 = arith.constant 80 : i32
      %scan3A_22 = arith.addi %scan3A_20, %scan3A_21 : i32
      %scan3A_23 = arith.constant 1 : i32
      %scan3A_24 = scf.for %scan3A_27 = %scan3A_20 to %scan3A_22 step %scan3A_23 iter_args(%scan3A_28 = %scan3A_19) -> (i32)  : i32 {
        %get3A = arith.index_cast %scan3A_27 : i32 to index
        %get3A_29 = arith.constant 0 : index
        %get3A_30 = tpu.vector_load %arg10[%get3A, %get3A_29] {strides = array<i32>} : memref<80x80xf32, #tpu.memory_space<vmem>>, vector<1x16xf32>,
        %get3A_31 = vector.shape_cast %get3A_30 : vector<1x16xf32> to vector<16xf32>
        %get3A_32 = arith.index_cast %scan3A_27 : i32 to index
        %get3A_33 = arith.constant 0 : index
        %get3A_34 = tpu.vector_load %arg11[%get3A_32, %get3A_33] {strides = array<i32>} : memref<80x16xf32, #tpu.memory_space<vmem>>, vector<1x16xf32>,
        %get3A_35 = vector.shape_cast %get3A_34 : vector<1x16xf32> to vector<16xf32>
        %add3A_36 = arith.addf %get3A_31, %get3A_35 : vector<16xf32>
        %lt3A = arith.constant 0.000000e+00 : f32
        %lt3A_37 = vector.broadcast %lt3A : f32 to vector<16xf32>
        %lt3A_38 = arith.cmpf olt, %add3A_36, %lt3A_37 : vector<16xf32>
        %mul3A_39 = arith.constant 2.000000e-01 : f32
        %mul3A_40 = vector.broadcast %mul3A_39 : f32 to vector<16xf32>
        %mul3A_41 = arith.mulf %mul3A_40, %add3A_36 : vector<16xf32>
        %select_n3A = arith.select %lt3A_38, %mul3A_41, %add3A_36 : vector<16xi1>, vector<16xf32>
        %exp3A = math.exp %select_n3A : vector<16xf32>
        %swap3A = arith.index_cast %scan3A_27 : i32 to index
        %swap3A_42 = arith.constant 0 : index
        %swap3A_43 = tpu.vector_load %arg12[%swap3A, %swap3A_42] {strides = array<i32>} : memref<80x80xf32, #tpu.memory_space<vmem>>, vector<1x16xf32>,
        %swap3A_44 = vector.shape_cast %swap3A_43 : vector<1x16xf32> to vector<16xf32>
        %swap3A_45 = vector.shape_cast %exp3A : vector<16xf32> to vector<1x16xf32>
        tpu.vector_store %arg12[%swap3A, %swap3A_42], %swap3A_45 {strides = array<i32>} : memref<80x80xf32, #tpu.memory_space<vmem>>, vector<1x16xf32>,
        %add3A_46 = arith.constant 0 : i32
        %add3A_47 = vector.broadcast %add3A_46 : i32 to vector<16xi32>
        %add3A_48 = arith.addi %shift_right_arithmetic3A_4, %add3A_47 : vector<16xi32>
        %reshape3A = vector.shape_cast %add3A_48 : vector<16xi32> to vector<16x1xi32>
        %gather3A = vector.shape_cast %reshape3A : vector<16x1xi32> to vector<16xi32>
        %gather3A_49 = tpu.dynamic_gather %exp3A[%gather3A] in [0] : vector<16xf32>, vector<16xi32> -> vector<16xf32>
        %get3A_50 = arith.index_cast %scan3A_27 : i32 to index
        %get3A_51 = arith.constant 16 : index
        %get3A_52 = tpu.vector_load %arg10[%get3A_50, %get3A_51] {strides = array<i32>} : memref<80x80xf32, #tpu.memory_space<vmem>>, vector<1x16xf32>,
        %get3A_53 = vector.shape_cast %get3A_52 : vector<1x16xf32> to vector<16xf32>
        %mul3A_54 = arith.mulf %gather3A_49, %get3A_53 : vector<16xf32>
        %swap3A_55 = arith.index_cast %scan3A_27 : i32 to index
        %swap3A_56 = arith.constant 16 : index
        %swap3A_57 = tpu.vector_load %arg12[%swap3A_55, %swap3A_56] {strides = array<i32>} : memref<80x80xf32, #tpu.memory_space<vmem>>, vector<1x16xf32>,
        %swap3A_58 = vector.shape_cast %swap3A_57 : vector<1x16xf32> to vector<16xf32>
        %swap3A_59 = vector.shape_cast %mul3A_54 : vector<16xf32> to vector<1x16xf32>
        tpu.vector_store %arg12[%swap3A_55, %swap3A_56], %swap3A_59 {strides = array<i32>} : memref<80x80xf32, #tpu.memory_space<vmem>>, vector<1x16xf32>,
        %add3A_60 = arith.constant 2 : i32
        %add3A_61 = vector.broadcast %add3A_60 : i32 to vector<16xi32>
        %add3A_62 = arith.addi %shift_right_arithmetic3A_4, %add3A_61 : vector<16xi32>
        %reshape3A_63 = vector.shape_cast %add3A_62 : vector<16xi32> to vector<16x1xi32>
        %gather3A_64 = vector.shape_cast %reshape3A_63 : vector<16x1xi32> to vector<16xi32>
        %gather3A_65 = tpu.dynamic_gather %exp3A[%gather3A_64] in [0] : vector<16xf32>, vector<16xi32> -> vector<16xf32>
        %get3A_66 = arith.index_cast %scan3A_27 : i32 to index
        %get3A_67 = arith.constant 32 : index
        %get3A_68 = tpu.vector_load %arg10[%get3A_66, %get3A_67] {strides = array<i32>} : memref<80x80xf32, #tpu.memory_space<vmem>>, vector<1x16xf32>,
        %get3A_69 = vector.shape_cast %get3A_68 : vector<1x16xf32> to vector<16xf32>
        %mul3A_70 = arith.mulf %gather3A_65, %get3A_69 : vector<16xf32>
        %swap3A_71 = arith.index_cast %scan3A_27 : i32 to index
        %swap3A_72 = arith.constant 32 : index
        %swap3A_73 = tpu.vector_load %arg12[%swap3A_71, %swap3A_72] {strides = array<i32>} : memref<80x80xf32, #tpu.memory_space<vmem>>, vector<1x16xf32>,
        %swap3A_74 = vector.shape_cast %swap3A_73 : vector<1x16xf32> to vector<16xf32>
        %swap3A_75 = vector.shape_cast %mul3A_70 : vector<16xf32> to vector<1x16xf32>
        tpu.vector_store %arg12[%swap3A_71, %swap3A_72], %swap3A_75 {strides = array<i32>} : memref<80x80xf32, #tpu.memory_space<vmem>>, vector<1x16xf32>,
        %add3A_76 = arith.constant 4 : i32
        %add3A_77 = vector.broadcast %add3A_76 : i32 to vector<16xi32>
        %add3A_78 = arith.addi %shift_right_arithmetic3A_4, %add3A_77 : vector<16xi32>
        %reshape3A_79 = vector.shape_cast %add3A_78 : vector<16xi32> to vector<16x1xi32>
        %gather3A_80 = vector.shape_cast %reshape3A_79 : vector<16x1xi32> to vector<16xi32>
        %gather3A_81 = tpu.dynamic_gather %exp3A[%gather3A_80] in [0] : vector<16xf32>, vector<16xi32> -> vector<16xf32>
        %get3A_82 = arith.index_cast %scan3A_27 : i32 to index
        %get3A_83 = arith.constant 48 : index
        %get3A_84 = tpu.vector_load %arg10[%get3A_82, %get3A_83] {strides = array<i32>} : memref<80x80xf32, #tpu.memory_space<vmem>>, vector<1x16xf32>,
        %get3A_85 = vector.shape_cast %get3A_84 : vector<1x16xf32> to vector<16xf32>
        %mul3A_86 = arith.mulf %gather3A_81, %get3A_85 : vector<16xf32>
        %swap3A_87 = arith.index_cast %scan3A_27 : i32 to index
        %swap3A_88 = arith.constant 48 : index
        %swap3A_89 = tpu.vector_load %arg12[%swap3A_87, %swap3A_88] {strides = array<i32>} : memref<80x80xf32, #tpu.memory_space<vmem>>, vector<1x16xf32>,
        %swap3A_90 = vector.shape_cast %swap3A_89 : vector<1x16xf32> to vector<16xf32>
        %swap3A_91 = vector.shape_cast %mul3A_86 : vector<16xf32> to vector<1x16xf32>
        tpu.vector_store %arg12[%swap3A_87, %swap3A_88], %swap3A_91 {strides = array<i32>} : memref<80x80xf32, #tpu.memory_space<vmem>>, vector<1x16xf32>,
        %add3A_92 = arith.constant 6 : i32
        %add3A_93 = vector.broadcast %add3A_92 : i32 to vector<16xi32>
        %add3A_94 = arith.addi %shift_right_arithmetic3A_4, %add3A_93 : vector<16xi32>
        %reshape3A_95 = vector.shape_cast %add3A_94 : vector<16xi32> to vector<16x1xi32>
        %gather3A_96 = vector.shape_cast %reshape3A_95 : vector<16x1xi32> to vector<16xi32>
        %gather3A_97 = tpu.dynamic_gather %exp3A[%gather3A_96] in [0] : vector<16xf32>, vector<16xi32> -> vector<16xf32>
        %get3A_98 = arith.index_cast %scan3A_27 : i32 to index
        %get3A_99 = arith.constant 64 : index
        %get3A_100 = tpu.vector_load %arg10[%get3A_98, %get3A_99] {strides = array<i32>} : memref<80x80xf32, #tpu.memory_space<vmem>>, vector<1x16xf32>,
        %get3A_101 = vector.shape_cast %get3A_100 : vector<1x16xf32> to vector<16xf32>
        %mul3A_102 = arith.mulf %gather3A_97, %get3A_101 : vector<16xf32>
        %swap3A_103 = arith.index_cast %scan3A_27 : i32 to index
        %swap3A_104 = arith.constant 64 : index
        %swap3A_105 = tpu.vector_load %arg12[%swap3A_103, %swap3A_104] {strides = array<i32>} : memref<80x80xf32, #tpu.memory_space<vmem>>, vector<1x16xf32>,
        %swap3A_106 = vector.shape_cast %swap3A_105 : vector<1x16xf32> to vector<16xf32>
        %swap3A_107 = vector.shape_cast %mul3A_102 : vector<16xf32> to vector<1x16xf32>
        tpu.vector_store %arg12[%swap3A_103, %swap3A_104], %swap3A_107 {strides = array<i32>} : memref<80x80xf32, #tpu.memory_space<vmem>>, vector<1x16xf32>,
        %scan3A_108 = arith.constant 0 : i32
        scf.yield %scan3A_108 : i32
      }
      %scan3A_25 = arith.constant 80 : i32
      "tpu.region"() ({
        %run_scoped3A = tpu.sem_alloc : memref<!tpu.dma_semaphore, #tpu.memory_space<semaphore_mem>>
        %dma_start3A = arith.constant 0 : i32
        %dma_start3A_27 = arith.constant 0 : i32
        %dma_start3A_28 = tpu.memref_slice %arg13[%dma_start3A, %dma_start3A_27] : memref<10240x80xf32, #tpu.memory_space<vmem_shared>> -> memref<10240x80xf32, #tpu.memory_space<vmem_shared>>
        tpu.enqueue_indirect_dma source(%arg12 : memref<80x80xf32, #tpu.memory_space<vmem>>) target(%dma_start3A_28 : memref<10240x80xf32, #tpu.memory_space<vmem_shared>>) offsets(%arg9 : memref<80xi32, #tpu.memory_space<vmem>>) semaphore(%run_scoped3A : memref<!tpu.dma_semaphore, #tpu.memory_space<semaphore_mem>>) {add = true}
        %dma_wait3A = arith.constant 0 : i32
        %dma_wait3A_29 = arith.constant 0 : i32
        %dma_wait3A_30 = tpu.memref_slice %arg13[%dma_wait3A, %dma_wait3A_29] : memref<10240x80xf32, #tpu.memory_space<vmem_shared>> -> memref<10240x80xf32, #tpu.memory_space<vmem_shared>>
        tpu.wait_indirect_dma semaphore(%run_scoped3A : memref<!tpu.dma_semaphore, #tpu.memory_space<semaphore_mem>>) src(%arg12 : memref<80x80xf32, #tpu.memory_space<vmem>>) dst(%dma_wait3A_30 : memref<10240x80xf32, #tpu.memory_space<vmem_shared>>)
        tpu.yield
      }) : () -> ()
      %scan3A_26 = arith.constant 0 : i32
      scf.yield %scan3A_26 : i32
    }
    %scan3A_10 = arith.constant 125 : i32
    %barrier3A_11 = arith.constant 0 : index
    tpu.barrier barrier_id(%barrier3A_11)
    "tpu.region"() ({
      %run_scoped3A = tpu.sem_alloc : memref<!tpu.dma_semaphore, #tpu.memory_space<semaphore_mem>>
      %dma_start3A = arith.constant 0 : i32
      %dma_start3A_12 = tpu.memref_slice %arg7[%arg0, %mul3A_2, %dma_start3A] : memref<2x10240x80xf32, #tpu.memory_space<hbm>> -> memref<1x640x80xf32, #tpu.memory_space<hbm>>
      %dma_start3A_13 = tpu.memref_squeeze %dma_start3A_12 : memref<1x640x80xf32, #tpu.memory_space<hbm>> -> memref<640x80xf32, #tpu.memory_space<hbm>>
      %dma_start3A_14 = arith.constant 0 : i32
      %dma_start3A_15 = tpu.memref_slice %arg13[%mul3A_2, %dma_start3A_14] : memref<10240x80xf32, #tpu.memory_space<vmem_shared>> -> memref<640x80xf32, #tpu.memory_space<vmem_shared>>
      tpu.enqueue_dma source(%dma_start3A_15 : memref<640x80xf32, #tpu.memory_space<vmem_shared>>) target(%dma_start3A_13 : memref<640x80xf32, #tpu.memory_space<hbm>>) target_semaphore(%run_scoped3A : memref<!tpu.dma_semaphore, #tpu.memory_space<semaphore_mem>>)
      %dma_wait3A = arith.constant 0 : i32
      %dma_wait3A_16 = tpu.memref_slice %arg7[%arg0, %mul3A_2, %dma_wait3A] : memref<2x10240x80xf32, #tpu.memory_space<hbm>> -> memref<1x640x80xf32, #tpu.memory_space<hbm>>
      %dma_wait3A_17 = tpu.memref_squeeze %dma_wait3A_16 : memref<1x640x80xf32, #tpu.memory_space<hbm>> -> memref<640x80xf32, #tpu.memory_space<hbm>>
      %dma_wait3A_18 = arith.constant 0 : i32
      %dma_wait3A_19 = tpu.memref_slice %arg13[%mul3A_2, %dma_wait3A_18] : memref<10240x80xf32, #tpu.memory_space<vmem_shared>> -> memref<640x80xf32, #tpu.memory_space<vmem_shared>>
      tpu.wait_dma2 semaphore(%run_scoped3A : memref<!tpu.dma_semaphore, #tpu.memory_space<semaphore_mem>>) src(%dma_wait3A_19 : memref<640x80xf32, #tpu.memory_space<vmem_shared>>) dst(%dma_wait3A_17 : memref<640x80xf32, #tpu.memory_space<hbm>>)
      tpu.yield
    }) : () -> ()
    return
  }
}

#map = affine_map<(d0, d1) -> (0, 0)>
#map1 = affine_map<(d0, d1) -> (0)>
#map2 = affine_map<(d0, d1) -> (0, 0, 0)>
module attributes {stable_mosaic.version = 14 : i64} {
  func.func @body(%arg0: i32, %arg1: i32, %arg2: memref<10240x32xf32, #tpu.memory_space<hbm>>, %arg3: memref<10240x16xf32, #tpu.memory_space<hbm>>, %arg4: memref<320000xi32, #tpu.memory_space<hbm>>, %arg5: memref<320000xi32, #tpu.memory_space<hbm>>, %arg6: memref<640x32xf32, #tpu.memory_space<hbm>>, %arg7: memref<2x10240x32xf32, #tpu.memory_space<hbm>>, %arg8: memref<80xi32, #tpu.memory_space<vmem>>, %arg9: memref<80xi32, #tpu.memory_space<vmem>>, %arg10: memref<80x32xf32, #tpu.memory_space<vmem>>, %arg11: memref<80x16xf32, #tpu.memory_space<vmem>>, %arg12: memref<80x32xf32, #tpu.memory_space<vmem>>, %arg13: memref<10240x32xf32, #tpu.memory_space<vmem_shared>>) attributes {dimension_semantics = [#tpu.dimension_semantics<core_parallel>, #tpu.dimension_semantics<subcore_parallel>], iteration_bounds = array<i64: 2, 16>, scalar_prefetch = 0 : i64, scratch_operands = 6 : i64, tpu.core_type = #tpu.core_type<sc_vector_subcore>, window_params = [{transform_indices = #map}, {transform_indices = #map}, {transform_indices = #map1}, {transform_indices = #map1}, {transform_indices = #map}, {transform_indices = #map2}]} {
    %mul3A = arith.constant 16 : i32
    %mul3A_0 = arith.muli %arg0, %mul3A : i32
    %add3A = arith.addi %mul3A_0, %arg1 : i32
    %mul3A_1 = arith.constant 640 : i32
    %mul3A_2 = arith.muli %arg1, %mul3A_1 : i32
    "tpu.region"() ({
      %run_scoped3A = tpu.sem_alloc : memref<!tpu.dma_semaphore, #tpu.memory_space<semaphore_mem>>
      %dma_start3A = arith.constant 0 : i32
      %dma_start3A_12 = tpu.memref_slice %arg13[%mul3A_2, %dma_start3A] : memref<10240x32xf32, #tpu.memory_space<vmem_shared>> -> memref<640x32xf32, #tpu.memory_space<vmem_shared>>
      %dma_start3A_13 = arith.constant 0 : i32
      %dma_start3A_14 = arith.constant 0 : i32
      %dma_start3A_15 = tpu.memref_slice %arg6[%dma_start3A_13, %dma_start3A_14] : memref<640x32xf32, #tpu.memory_space<hbm>> -> memref<640x32xf32, #tpu.memory_space<hbm>>
      tpu.enqueue_dma source(%dma_start3A_15 : memref<640x32xf32, #tpu.memory_space<hbm>>) target(%dma_start3A_12 : memref<640x32xf32, #tpu.memory_space<vmem_shared>>) target_semaphore(%run_scoped3A : memref<!tpu.dma_semaphore, #tpu.memory_space<semaphore_mem>>)
      %dma_wait3A = arith.constant 0 : i32
      %dma_wait3A_16 = tpu.memref_slice %arg13[%mul3A_2, %dma_wait3A] : memref<10240x32xf32, #tpu.memory_space<vmem_shared>> -> memref<640x32xf32, #tpu.memory_space<vmem_shared>>
      %dma_wait3A_17 = arith.constant 0 : i32
      %dma_wait3A_18 = arith.constant 0 : i32
      %dma_wait3A_19 = tpu.memref_slice %arg6[%dma_wait3A_17, %dma_wait3A_18] : memref<640x32xf32, #tpu.memory_space<hbm>> -> memref<640x32xf32, #tpu.memory_space<hbm>>
      tpu.wait_dma2 semaphore(%run_scoped3A : memref<!tpu.dma_semaphore, #tpu.memory_space<semaphore_mem>>) src(%dma_wait3A_19 : memref<640x32xf32, #tpu.memory_space<hbm>>) dst(%dma_wait3A_16 : memref<640x32xf32, #tpu.memory_space<vmem_shared>>)
      tpu.yield
    }) : () -> ()
    %barrier3A = arith.constant 0 : index
    tpu.barrier barrier_id(%barrier3A)
    %iota3A = tpu.iota {dimensions = array<i32: 0>} : vector<16xi32>
    %shift_right_arithmetic3A = arith.constant 4 : i32
    %shift_right_arithmetic3A_3 = vector.broadcast %shift_right_arithmetic3A : i32 to vector<16xi32>
    %shift_right_arithmetic3A_4 = arith.shrsi %iota3A, %shift_right_arithmetic3A_3 : vector<16xi32>
    %scan3A = arith.constant 0 : i32
    %scan3A_5 = arith.constant 0 : i32
    %scan3A_6 = arith.constant 125 : i32
    %scan3A_7 = arith.addi %scan3A_5, %scan3A_6 : i32
    %scan3A_8 = arith.constant 1 : i32
    %scan3A_9 = scf.for %scan3A_12 = %scan3A_5 to %scan3A_7 step %scan3A_8 iter_args(%scan3A_13 = %scan3A) -> (i32)  : i32 {
      %mul3A_14 = arith.constant 10000 : i32
      %mul3A_15 = arith.muli %add3A, %mul3A_14 : i32
      %mul3A_16 = arith.constant 80 : i32
      %mul3A_17 = arith.muli %scan3A_12, %mul3A_16 : i32
      %add3A_18 = arith.addi %mul3A_15, %mul3A_17 : i32
      "tpu.region"() ({
        %run_scoped3A = tpu.sem_alloc : memref<!tpu.dma_semaphore, #tpu.memory_space<semaphore_mem>>
        %dma_start3A = tpu.memref_slice %arg4[%add3A_18] : memref<320000xi32, #tpu.memory_space<hbm>> -> memref<80xi32, #tpu.memory_space<hbm>>
        %dma_start3A_27 = tpu.memref_slice %arg4[%add3A_18] : memref<320000xi32, #tpu.memory_space<hbm>> -> memref<80xi32, #tpu.memory_space<hbm>>
        tpu.enqueue_dma source(%dma_start3A_27 : memref<80xi32, #tpu.memory_space<hbm>>) target(%arg8 : memref<80xi32, #tpu.memory_space<vmem>>) target_semaphore(%run_scoped3A : memref<!tpu.dma_semaphore, #tpu.memory_space<semaphore_mem>>)
        %dma_wait3A = tpu.memref_slice %arg4[%add3A_18] : memref<320000xi32, #tpu.memory_space<hbm>> -> memref<80xi32, #tpu.memory_space<hbm>>
        %dma_wait3A_28 = tpu.memref_slice %arg4[%add3A_18] : memref<320000xi32, #tpu.memory_space<hbm>> -> memref<80xi32, #tpu.memory_space<hbm>>
        tpu.wait_dma2 semaphore(%run_scoped3A : memref<!tpu.dma_semaphore, #tpu.memory_space<semaphore_mem>>) src(%dma_wait3A_28 : memref<80xi32, #tpu.memory_space<hbm>>) dst(%arg8 : memref<80xi32, #tpu.memory_space<vmem>>)
        tpu.yield
      }) : () -> ()
      "tpu.region"() ({
        %run_scoped3A = tpu.sem_alloc : memref<!tpu.dma_semaphore, #tpu.memory_space<semaphore_mem>>
        %dma_start3A = tpu.memref_slice %arg5[%add3A_18] : memref<320000xi32, #tpu.memory_space<hbm>> -> memref<80xi32, #tpu.memory_space<hbm>>
        %dma_start3A_27 = tpu.memref_slice %arg5[%add3A_18] : memref<320000xi32, #tpu.memory_space<hbm>> -> memref<80xi32, #tpu.memory_space<hbm>>
        tpu.enqueue_dma source(%dma_start3A_27 : memref<80xi32, #tpu.memory_space<hbm>>) target(%arg9 : memref<80xi32, #tpu.memory_space<vmem>>) target_semaphore(%run_scoped3A : memref<!tpu.dma_semaphore, #tpu.memory_space<semaphore_mem>>)
        %dma_wait3A = tpu.memref_slice %arg5[%add3A_18] : memref<320000xi32, #tpu.memory_space<hbm>> -> memref<80xi32, #tpu.memory_space<hbm>>
        %dma_wait3A_28 = tpu.memref_slice %arg5[%add3A_18] : memref<320000xi32, #tpu.memory_space<hbm>> -> memref<80xi32, #tpu.memory_space<hbm>>
        tpu.wait_dma2 semaphore(%run_scoped3A : memref<!tpu.dma_semaphore, #tpu.memory_space<semaphore_mem>>) src(%dma_wait3A_28 : memref<80xi32, #tpu.memory_space<hbm>>) dst(%arg9 : memref<80xi32, #tpu.memory_space<vmem>>)
        tpu.yield
      }) : () -> ()
      "tpu.region"() ({
        %run_scoped3A = tpu.sem_alloc : memref<!tpu.dma_semaphore, #tpu.memory_space<semaphore_mem>>
        %dma_start3A = arith.constant 0 : i32
        %dma_start3A_27 = arith.constant 0 : i32
        %dma_start3A_28 = tpu.memref_slice %arg2[%dma_start3A, %dma_start3A_27] : memref<10240x32xf32, #tpu.memory_space<hbm>> -> memref<10240x32xf32, #tpu.memory_space<hbm>>
        tpu.enqueue_indirect_dma source(%dma_start3A_28 : memref<10240x32xf32, #tpu.memory_space<hbm>>) target(%arg10 : memref<80x32xf32, #tpu.memory_space<vmem>>) offsets(%arg8 : memref<80xi32, #tpu.memory_space<vmem>>) semaphore(%run_scoped3A : memref<!tpu.dma_semaphore, #tpu.memory_space<semaphore_mem>>)
        %dma_wait3A = arith.constant 0 : i32
        %dma_wait3A_29 = arith.constant 0 : i32
        %dma_wait3A_30 = tpu.memref_slice %arg2[%dma_wait3A, %dma_wait3A_29] : memref<10240x32xf32, #tpu.memory_space<hbm>> -> memref<10240x32xf32, #tpu.memory_space<hbm>>
        tpu.wait_indirect_dma semaphore(%run_scoped3A : memref<!tpu.dma_semaphore, #tpu.memory_space<semaphore_mem>>) src(%dma_wait3A_30 : memref<10240x32xf32, #tpu.memory_space<hbm>>) dst(%arg10 : memref<80x32xf32, #tpu.memory_space<vmem>>)
        tpu.yield
      }) : () -> ()
      "tpu.region"() ({
        %run_scoped3A = tpu.sem_alloc : memref<!tpu.dma_semaphore, #tpu.memory_space<semaphore_mem>>
        %dma_start3A = arith.constant 0 : i32
        %dma_start3A_27 = arith.constant 0 : i32
        %dma_start3A_28 = tpu.memref_slice %arg3[%dma_start3A, %dma_start3A_27] : memref<10240x16xf32, #tpu.memory_space<hbm>> -> memref<10240x16xf32, #tpu.memory_space<hbm>>
        tpu.enqueue_indirect_dma source(%dma_start3A_28 : memref<10240x16xf32, #tpu.memory_space<hbm>>) target(%arg11 : memref<80x16xf32, #tpu.memory_space<vmem>>) offsets(%arg9 : memref<80xi32, #tpu.memory_space<vmem>>) semaphore(%run_scoped3A : memref<!tpu.dma_semaphore, #tpu.memory_space<semaphore_mem>>)
        %dma_wait3A = arith.constant 0 : i32
        %dma_wait3A_29 = arith.constant 0 : i32
        %dma_wait3A_30 = tpu.memref_slice %arg3[%dma_wait3A, %dma_wait3A_29] : memref<10240x16xf32, #tpu.memory_space<hbm>> -> memref<10240x16xf32, #tpu.memory_space<hbm>>
        tpu.wait_indirect_dma semaphore(%run_scoped3A : memref<!tpu.dma_semaphore, #tpu.memory_space<semaphore_mem>>) src(%dma_wait3A_30 : memref<10240x16xf32, #tpu.memory_space<hbm>>) dst(%arg11 : memref<80x16xf32, #tpu.memory_space<vmem>>)
        tpu.yield
      }) : () -> ()
      %scan3A_19 = arith.constant 0 : i32
      %scan3A_20 = arith.constant 0 : i32
      %scan3A_21 = arith.constant 80 : i32
      %scan3A_22 = arith.addi %scan3A_20, %scan3A_21 : i32
      %scan3A_23 = arith.constant 1 : i32
      %scan3A_24 = scf.for %scan3A_27 = %scan3A_20 to %scan3A_22 step %scan3A_23 iter_args(%scan3A_28 = %scan3A_19) -> (i32)  : i32 {
        %get3A = arith.index_cast %scan3A_27 : i32 to index
        %get3A_29 = arith.constant 0 : index
        %get3A_30 = tpu.vector_load %arg10[%get3A, %get3A_29] {strides = array<i32>} : memref<80x32xf32, #tpu.memory_space<vmem>>, vector<1x16xf32>,
        %get3A_31 = vector.shape_cast %get3A_30 : vector<1x16xf32> to vector<16xf32>
        %get3A_32 = arith.index_cast %scan3A_27 : i32 to index
        %get3A_33 = arith.constant 16 : index
        %get3A_34 = tpu.vector_load %arg10[%get3A_32, %get3A_33] {strides = array<i32>} : memref<80x32xf32, #tpu.memory_space<vmem>>, vector<1x16xf32>,
        %get3A_35 = vector.shape_cast %get3A_34 : vector<1x16xf32> to vector<16xf32>
        %get3A_36 = arith.index_cast %scan3A_27 : i32 to index
        %get3A_37 = arith.constant 0 : index
        %get3A_38 = tpu.vector_load %arg11[%get3A_36, %get3A_37] {strides = array<i32>} : memref<80x16xf32, #tpu.memory_space<vmem>>, vector<1x16xf32>,
        %get3A_39 = vector.shape_cast %get3A_38 : vector<1x16xf32> to vector<16xf32>
        %add3A_40 = arith.addf %get3A_35, %get3A_39 : vector<16xf32>
        %lt3A = arith.constant 0.000000e+00 : f32
        %lt3A_41 = vector.broadcast %lt3A : f32 to vector<16xf32>
        %lt3A_42 = arith.cmpf olt, %add3A_40, %lt3A_41 : vector<16xf32>
        %mul3A_43 = arith.constant 2.000000e-01 : f32
        %mul3A_44 = vector.broadcast %mul3A_43 : f32 to vector<16xf32>
        %mul3A_45 = arith.mulf %mul3A_44, %add3A_40 : vector<16xf32>
        %select_n3A = arith.select %lt3A_42, %mul3A_45, %add3A_40 : vector<16xi1>, vector<16xf32>
        %exp3A = math.exp %select_n3A : vector<16xf32>
        %reshape3A = vector.shape_cast %shift_right_arithmetic3A_4 : vector<16xi32> to vector<16x1xi32>
        %gather3A = vector.shape_cast %reshape3A : vector<16x1xi32> to vector<16xi32>
        %gather3A_46 = tpu.dynamic_gather %exp3A[%gather3A] in [0] : vector<16xf32>, vector<16xi32> -> vector<16xf32>
        %mul3A_47 = arith.mulf %gather3A_46, %get3A_31 : vector<16xf32>
        %swap3A = arith.index_cast %scan3A_27 : i32 to index
        %swap3A_48 = arith.constant 0 : index
        %swap3A_49 = tpu.vector_load %arg12[%swap3A, %swap3A_48] {strides = array<i32>} : memref<80x32xf32, #tpu.memory_space<vmem>>, vector<1x16xf32>,
        %swap3A_50 = vector.shape_cast %swap3A_49 : vector<1x16xf32> to vector<16xf32>
        %swap3A_51 = vector.shape_cast %mul3A_47 : vector<16xf32> to vector<1x16xf32>
        tpu.vector_store %arg12[%swap3A, %swap3A_48], %swap3A_51 {strides = array<i32>} : memref<80x32xf32, #tpu.memory_space<vmem>>, vector<1x16xf32>,
        %swap3A_52 = arith.index_cast %scan3A_27 : i32 to index
        %swap3A_53 = arith.constant 16 : index
        %swap3A_54 = tpu.vector_load %arg12[%swap3A_52, %swap3A_53] {strides = array<i32>} : memref<80x32xf32, #tpu.memory_space<vmem>>, vector<1x16xf32>,
        %swap3A_55 = vector.shape_cast %swap3A_54 : vector<1x16xf32> to vector<16xf32>
        %swap3A_56 = vector.shape_cast %gather3A_46 : vector<16xf32> to vector<1x16xf32>
        tpu.vector_store %arg12[%swap3A_52, %swap3A_53], %swap3A_56 {strides = array<i32>} : memref<80x32xf32, #tpu.memory_space<vmem>>, vector<1x16xf32>,
        %scan3A_57 = arith.constant 0 : i32
        scf.yield %scan3A_57 : i32
      }
      %scan3A_25 = arith.constant 80 : i32
      "tpu.region"() ({
        %run_scoped3A = tpu.sem_alloc : memref<!tpu.dma_semaphore, #tpu.memory_space<semaphore_mem>>
        %dma_start3A = arith.constant 0 : i32
        %dma_start3A_27 = arith.constant 0 : i32
        %dma_start3A_28 = tpu.memref_slice %arg13[%dma_start3A, %dma_start3A_27] : memref<10240x32xf32, #tpu.memory_space<vmem_shared>> -> memref<10240x32xf32, #tpu.memory_space<vmem_shared>>
        tpu.enqueue_indirect_dma source(%arg12 : memref<80x32xf32, #tpu.memory_space<vmem>>) target(%dma_start3A_28 : memref<10240x32xf32, #tpu.memory_space<vmem_shared>>) offsets(%arg9 : memref<80xi32, #tpu.memory_space<vmem>>) semaphore(%run_scoped3A : memref<!tpu.dma_semaphore, #tpu.memory_space<semaphore_mem>>) {add = true}
        %dma_wait3A = arith.constant 0 : i32
        %dma_wait3A_29 = arith.constant 0 : i32
        %dma_wait3A_30 = tpu.memref_slice %arg13[%dma_wait3A, %dma_wait3A_29] : memref<10240x32xf32, #tpu.memory_space<vmem_shared>> -> memref<10240x32xf32, #tpu.memory_space<vmem_shared>>
        tpu.wait_indirect_dma semaphore(%run_scoped3A : memref<!tpu.dma_semaphore, #tpu.memory_space<semaphore_mem>>) src(%arg12 : memref<80x32xf32, #tpu.memory_space<vmem>>) dst(%dma_wait3A_30 : memref<10240x32xf32, #tpu.memory_space<vmem_shared>>)
        tpu.yield
      }) : () -> ()
      %scan3A_26 = arith.constant 0 : i32
      scf.yield %scan3A_26 : i32
    }
    %scan3A_10 = arith.constant 125 : i32
    %barrier3A_11 = arith.constant 0 : index
    tpu.barrier barrier_id(%barrier3A_11)
    "tpu.region"() ({
      %run_scoped3A = tpu.sem_alloc : memref<!tpu.dma_semaphore, #tpu.memory_space<semaphore_mem>>
      %dma_start3A = arith.constant 0 : i32
      %dma_start3A_12 = tpu.memref_slice %arg7[%arg0, %mul3A_2, %dma_start3A] : memref<2x10240x32xf32, #tpu.memory_space<hbm>> -> memref<1x640x32xf32, #tpu.memory_space<hbm>>
      %dma_start3A_13 = tpu.memref_squeeze %dma_start3A_12 : memref<1x640x32xf32, #tpu.memory_space<hbm>> -> memref<640x32xf32, #tpu.memory_space<hbm>>
      %dma_start3A_14 = arith.constant 0 : i32
      %dma_start3A_15 = tpu.memref_slice %arg13[%mul3A_2, %dma_start3A_14] : memref<10240x32xf32, #tpu.memory_space<vmem_shared>> -> memref<640x32xf32, #tpu.memory_space<vmem_shared>>
      tpu.enqueue_dma source(%dma_start3A_15 : memref<640x32xf32, #tpu.memory_space<vmem_shared>>) target(%dma_start3A_13 : memref<640x32xf32, #tpu.memory_space<hbm>>) target_semaphore(%run_scoped3A : memref<!tpu.dma_semaphore, #tpu.memory_space<semaphore_mem>>)
      %dma_wait3A = arith.constant 0 : i32
      %dma_wait3A_16 = tpu.memref_slice %arg7[%arg0, %mul3A_2, %dma_wait3A] : memref<2x10240x32xf32, #tpu.memory_space<hbm>> -> memref<1x640x32xf32, #tpu.memory_space<hbm>>
      %dma_wait3A_17 = tpu.memref_squeeze %dma_wait3A_16 : memref<1x640x32xf32, #tpu.memory_space<hbm>> -> memref<640x32xf32, #tpu.memory_space<hbm>>
      %dma_wait3A_18 = arith.constant 0 : i32
      %dma_wait3A_19 = tpu.memref_slice %arg13[%mul3A_2, %dma_wait3A_18] : memref<10240x32xf32, #tpu.memory_space<vmem_shared>> -> memref<640x32xf32, #tpu.memory_space<vmem_shared>>
      tpu.wait_dma2 semaphore(%run_scoped3A : memref<!tpu.dma_semaphore, #tpu.memory_space<semaphore_mem>>) src(%dma_wait3A_19 : memref<640x32xf32, #tpu.memory_space<vmem_shared>>) dst(%dma_wait3A_17 : memref<640x32xf32, #tpu.memory_space<hbm>>)
      tpu.yield
    }) : () -> ()
    return
  }
}

module attributes {stable_mosaic.version = 14 : i64} {
  func.func @_prep1_body(%arg0: i32, %arg1: memref<256x128xf32, #tpu.memory_space<vmem>>, %arg2: memref<128x64xf32, #tpu.memory_space<vmem>>, %arg3: memref<64x80xf32, #tpu.memory_space<vmem>>, %arg4: memref<64x16xf32, #tpu.memory_space<vmem>>, %arg5: memref<256x80xf32, #tpu.memory_space<vmem>>, %arg6: memref<256x16xf32, #tpu.memory_space<vmem>>) attributes {dimension_semantics = [#tpu.dimension_semantics<arbitrary>], iteration_bounds = array<i64: 40>, scalar_prefetch = 0 : i64, scratch_operands = 0 : i64, tpu.core_type = #tpu.core_type<tc>, window_params = [{transform_indices = @transform_0, window_bounds = array<i64: 256, 128>}, {pipeline_mode = #tpu.pipeline_mode<synchronous>, transform_indices = @transform_1, window_bounds = array<i64: 128, 64>}, {pipeline_mode = #tpu.pipeline_mode<synchronous>, transform_indices = @transform_2, window_bounds = array<i64: 64, 80>}, {pipeline_mode = #tpu.pipeline_mode<synchronous>, transform_indices = @transform_3, window_bounds = array<i64: 64, 16>}, {transform_indices = @transform_4, window_bounds = array<i64: 256, 80>}, {transform_indices = @transform_5, window_bounds = array<i64: 256, 16>}]} {
    %get3A = arith.constant 0 : index
    %get3A_0 = arith.constant 0 : index
    %get3A_1 = vector.load %arg1[%get3A, %get3A_0] : memref<256x128xf32, #tpu.memory_space<vmem>>, vector<256x128xf32>
    %get3A_2 = arith.constant 0 : index
    %get3A_3 = arith.constant 0 : index
    %get3A_4 = vector.load %arg2[%get3A_2, %get3A_3] : memref<128x64xf32, #tpu.memory_space<vmem>>, vector<128x64xf32>
    %dot_general3A = arith.constant dense<0.000000e+00> : vector<256x64xf32>
    %dot_general3A_5 = tpu.matmul %get3A_1, %get3A_4, %dot_general3A {dimension_numbers = #tpu.dot_dimension_numbers<[1], [0], [0], [1], [0, 0, 1, 1], [], []>, precision = #tpu.contract_precision<fp32>, transpose_lhs_hint = false} : vector<256x128xf32>, vector<128x64xf32>, vector<256x64xf32> -> vector<256x64xf32>
    %get3A_6 = arith.constant 0 : index
    %get3A_7 = arith.constant 0 : index
    %get3A_8 = vector.load %arg3[%get3A_6, %get3A_7] : memref<64x80xf32, #tpu.memory_space<vmem>>, vector<64x80xf32>
    %dot_general3A_9 = arith.constant dense<0.000000e+00> : vector<256x80xf32>
    %dot_general3A_10 = tpu.matmul %dot_general3A_5, %get3A_8, %dot_general3A_9 {dimension_numbers = #tpu.dot_dimension_numbers<[1], [0], [0], [1], [0, 0, 1, 1], [], []>, precision = #tpu.contract_precision<fp32>, transpose_lhs_hint = false} : vector<256x64xf32>, vector<64x80xf32>, vector<256x80xf32> -> vector<256x80xf32>
    %swap3A = arith.constant 0 : index
    %swap3A_11 = arith.constant 0 : index
    %swap3A_12 = vector.load %arg5[%swap3A, %swap3A_11] : memref<256x80xf32, #tpu.memory_space<vmem>>, vector<256x80xf32>
    tpu.vector_store %arg5[%swap3A, %swap3A_11], %dot_general3A_10 {strides = array<i32>} : memref<256x80xf32, #tpu.memory_space<vmem>>, vector<256x80xf32>,
    %get3A_13 = arith.constant 0 : index
    %get3A_14 = arith.constant 0 : index
    %get3A_15 = vector.load %arg4[%get3A_13, %get3A_14] : memref<64x16xf32, #tpu.memory_space<vmem>>, vector<64x16xf32>
    %dot_general3A_16 = arith.constant dense<0.000000e+00> : vector<256x16xf32>
    %dot_general3A_17 = tpu.matmul %dot_general3A_5, %get3A_15, %dot_general3A_16 {dimension_numbers = #tpu.dot_dimension_numbers<[1], [0], [0], [1], [0, 0, 1, 1], [], []>, precision = #tpu.contract_precision<fp32>, transpose_lhs_hint = false} : vector<256x64xf32>, vector<64x16xf32>, vector<256x16xf32> -> vector<256x16xf32>
    %swap3A_18 = arith.constant 0 : index
    %swap3A_19 = arith.constant 0 : index
    %swap3A_20 = vector.load %arg6[%swap3A_18, %swap3A_19] : memref<256x16xf32, #tpu.memory_space<vmem>>, vector<256x16xf32>
    tpu.vector_store %arg6[%swap3A_18, %swap3A_19], %dot_general3A_17 {strides = array<i32>} : memref<256x16xf32, #tpu.memory_space<vmem>>, vector<256x16xf32>,
    return
  }
  func.func @transform_0(%arg0: i32) -> (i32, i32) {
    %c0_i32 = arith.constant 0 : i32
    %c0_i32_0 = arith.constant 0 : i32
    return %arg0, %c0_i32 : i32, i32
  }
  func.func @transform_1(%arg0: i32) -> (i32, i32) {
    %c0_i32 = arith.constant 0 : i32
    %c0_i32_0 = arith.constant 0 : i32
    %c0_i32_1 = arith.constant 0 : i32
    return %c0_i32, %c0_i32_0 : i32, i32
  }
  func.func @transform_2(%arg0: i32) -> (i32, i32) {
    %c0_i32 = arith.constant 0 : i32
    %c0_i32_0 = arith.constant 0 : i32
    %c0_i32_1 = arith.constant 0 : i32
    return %c0_i32, %c0_i32_0 : i32, i32
  }
  func.func @transform_3(%arg0: i32) -> (i32, i32) {
    %c0_i32 = arith.constant 0 : i32
    %c0_i32_0 = arith.constant 0 : i32
    %c0_i32_1 = arith.constant 0 : i32
    return %c0_i32, %c0_i32_0 : i32, i32
  }
  func.func @transform_4(%arg0: i32) -> (i32, i32) {
    %c0_i32 = arith.constant 0 : i32
    %c0_i32_0 = arith.constant 0 : i32
    return %arg0, %c0_i32 : i32, i32
  }
  func.func @transform_5(%arg0: i32) -> (i32, i32) {
    %c0_i32 = arith.constant 0 : i32
    %c0_i32_0 = arith.constant 0 : i32
    return %arg0, %c0_i32 : i32, i32
  }
}

module attributes {stable_mosaic.version = 14 : i64} {
  func.func @_mid_body(%arg0: i32, %arg1: memref<256x80xf32, #tpu.memory_space<vmem>>, %arg2: memref<256x80xf32, #tpu.memory_space<vmem>>, %arg3: memref<80x64xf32, #tpu.memory_space<vmem>>, %arg4: memref<80x64xf32, #tpu.memory_space<vmem>>, %arg5: memref<1x64xf32, #tpu.memory_space<vmem>>, %arg6: memref<64x32xf32, #tpu.memory_space<vmem>>, %arg7: memref<64x16xf32, #tpu.memory_space<vmem>>, %arg8: memref<256x32xf32, #tpu.memory_space<vmem>>, %arg9: memref<256x16xf32, #tpu.memory_space<vmem>>) attributes {dimension_semantics = [#tpu.dimension_semantics<arbitrary>], iteration_bounds = array<i64: 40>, scalar_prefetch = 0 : i64, scratch_operands = 0 : i64, tpu.core_type = #tpu.core_type<tc>, window_params = [{transform_indices = @transform_0, window_bounds = array<i64: 256, 80>}, {transform_indices = @transform_1, window_bounds = array<i64: 256, 80>}, {pipeline_mode = #tpu.pipeline_mode<synchronous>, transform_indices = @transform_2, window_bounds = array<i64: 80, 64>}, {pipeline_mode = #tpu.pipeline_mode<synchronous>, transform_indices = @transform_3, window_bounds = array<i64: 80, 64>}, {pipeline_mode = #tpu.pipeline_mode<synchronous>, transform_indices = @transform_4, window_bounds = array<i64: 1, 64>}, {pipeline_mode = #tpu.pipeline_mode<synchronous>, transform_indices = @transform_5, window_bounds = array<i64: 64, 32>}, {pipeline_mode = #tpu.pipeline_mode<synchronous>, transform_indices = @transform_6, window_bounds = array<i64: 64, 16>}, {transform_indices = @transform_7, window_bounds = array<i64: 256, 32>}, {transform_indices = @transform_8, window_bounds = array<i64: 256, 16>}]} {
    %get3A = arith.constant 0 : index
    %get3A_0 = arith.constant 0 : index
    %get3A_1 = vector.load %arg1[%get3A, %get3A_0] : memref<256x80xf32, #tpu.memory_space<vmem>>, vector<256x80xf32>
    %get3A_2 = arith.constant 0 : index
    %get3A_3 = arith.constant 0 : index
    %get3A_4 = vector.load %arg2[%get3A_2, %get3A_3] : memref<256x80xf32, #tpu.memory_space<vmem>>, vector<256x80xf32>
    %add3A = arith.addf %get3A_1, %get3A_4 : vector<256x80xf32>
    %get3A_5 = arith.constant 0 : index
    %get3A_6 = arith.constant 0 : index
    %get3A_7 = vector.load %arg3[%get3A_5, %get3A_6] : memref<80x64xf32, #tpu.memory_space<vmem>>, vector<80x64xf32>
    %dot_general3A = arith.constant dense<0.000000e+00> : vector<256x64xf32>
    %dot_general3A_8 = tpu.matmul %add3A, %get3A_7, %dot_general3A {dimension_numbers = #tpu.dot_dimension_numbers<[1], [0], [0], [1], [0, 0, 1, 1], [], []>, precision = #tpu.contract_precision<fp32>, transpose_lhs_hint = false} : vector<256x80xf32>, vector<80x64xf32>, vector<256x64xf32> -> vector<256x64xf32>
    %get3A_9 = arith.constant 0 : index
    %get3A_10 = arith.constant 0 : index
    %get3A_11 = vector.load %arg4[%get3A_9, %get3A_10] : memref<80x64xf32, #tpu.memory_space<vmem>>, vector<80x64xf32>
    %dot_general3A_12 = arith.constant dense<0.000000e+00> : vector<256x64xf32>
    %dot_general3A_13 = tpu.matmul %add3A, %get3A_11, %dot_general3A_12 {dimension_numbers = #tpu.dot_dimension_numbers<[1], [0], [0], [1], [0, 0, 1, 1], [], []>, precision = #tpu.contract_precision<fp32>, transpose_lhs_hint = false} : vector<256x80xf32>, vector<80x64xf32>, vector<256x64xf32> -> vector<256x64xf32>
    %add3A_14 = arith.constant 1.000000e-16 : f32
    %add3A_15 = vector.broadcast %add3A_14 : f32 to vector<256x64xf32>
    %add3A_16 = arith.addf %dot_general3A_8, %add3A_15 : vector<256x64xf32>
    %div3A = arith.divf %dot_general3A_13, %add3A_16 : vector<256x64xf32>
    %get3A_17 = arith.constant 0 : index
    %get3A_18 = arith.constant 0 : index
    %get3A_19 = vector.load %arg5[%get3A_17, %get3A_18] : memref<1x64xf32, #tpu.memory_space<vmem>>, vector<1x64xf32>
    %add3A_20 = vector.broadcast %get3A_19 : vector<1x64xf32> to vector<256x64xf32>
    %add3A_21 = arith.addf %div3A, %add3A_20 : vector<256x64xf32>
    %gt3A = arith.constant 0.000000e+00 : f32
    %gt3A_22 = vector.broadcast %gt3A : f32 to vector<256x64xf32>
    %gt3A_23 = arith.cmpf ogt, %add3A_21, %gt3A_22 : vector<256x64xf32>
    %exp3A = math.exp %add3A_21 : vector<256x64xf32>
    %sub3A = arith.constant 1.000000e+00 : f32
    %sub3A_24 = vector.broadcast %sub3A : f32 to vector<256x64xf32>
    %sub3A_25 = arith.subf %exp3A, %sub3A_24 : vector<256x64xf32>
    %select_n3A = arith.select %gt3A_23, %add3A_21, %sub3A_25 : vector<256x64xi1>, vector<256x64xf32>
    %get3A_26 = arith.constant 0 : index
    %get3A_27 = arith.constant 0 : index
    %get3A_28 = vector.load %arg6[%get3A_26, %get3A_27] : memref<64x32xf32, #tpu.memory_space<vmem>>, vector<64x32xf32>
    %dot_general3A_29 = arith.constant dense<0.000000e+00> : vector<256x32xf32>
    %dot_general3A_30 = tpu.matmul %select_n3A, %get3A_28, %dot_general3A_29 {dimension_numbers = #tpu.dot_dimension_numbers<[1], [0], [0], [1], [0, 0, 1, 1], [], []>, precision = #tpu.contract_precision<fp32>, transpose_lhs_hint = false} : vector<256x64xf32>, vector<64x32xf32>, vector<256x32xf32> -> vector<256x32xf32>
    %swap3A = arith.constant 0 : index
    %swap3A_31 = arith.constant 0 : index
    %swap3A_32 = vector.load %arg8[%swap3A, %swap3A_31] : memref<256x32xf32, #tpu.memory_space<vmem>>, vector<256x32xf32>
    tpu.vector_store %arg8[%swap3A, %swap3A_31], %dot_general3A_30 {strides = array<i32>} : memref<256x32xf32, #tpu.memory_space<vmem>>, vector<256x32xf32>,
    %get3A_33 = arith.constant 0 : index
    %get3A_34 = arith.constant 0 : index
    %get3A_35 = vector.load %arg7[%get3A_33, %get3A_34] : memref<64x16xf32, #tpu.memory_space<vmem>>, vector<64x16xf32>
    %dot_general3A_36 = arith.constant dense<0.000000e+00> : vector<256x16xf32>
    %dot_general3A_37 = tpu.matmul %select_n3A, %get3A_35, %dot_general3A_36 {dimension_numbers = #tpu.dot_dimension_numbers<[1], [0], [0], [1], [0, 0, 1, 1], [], []>, precision = #tpu.contract_precision<fp32>, transpose_lhs_hint = false} : vector<256x64xf32>, vector<64x16xf32>, vector<256x16xf32> -> vector<256x16xf32>
    %swap3A_38 = arith.constant 0 : index
    %swap3A_39 = arith.constant 0 : index
    %swap3A_40 = vector.load %arg9[%swap3A_38, %swap3A_39] : memref<256x16xf32, #tpu.memory_space<vmem>>, vector<256x16xf32>
    tpu.vector_store %arg9[%swap3A_38, %swap3A_39], %dot_general3A_37 {strides = array<i32>} : memref<256x16xf32, #tpu.memory_space<vmem>>, vector<256x16xf32>,
    return
  }
  func.func @transform_0(%arg0: i32) -> (i32, i32) {
    %c0_i32 = arith.constant 0 : i32
    %c0_i32_0 = arith.constant 0 : i32
    return %arg0, %c0_i32 : i32, i32
  }
  func.func @transform_1(%arg0: i32) -> (i32, i32) {
    %c0_i32 = arith.constant 0 : i32
    %c0_i32_0 = arith.constant 0 : i32
    return %arg0, %c0_i32 : i32, i32
  }
  func.func @transform_2(%arg0: i32) -> (i32, i32) {
    %c0_i32 = arith.constant 0 : i32
    %c0_i32_0 = arith.constant 0 : i32
    %c0_i32_1 = arith.constant 0 : i32
    return %c0_i32, %c0_i32_0 : i32, i32
  }
  func.func @transform_3(%arg0: i32) -> (i32, i32) {
    %c0_i32 = arith.constant 0 : i32
    %c0_i32_0 = arith.constant 0 : i32
    %c0_i32_1 = arith.constant 0 : i32
    return %c0_i32, %c0_i32_0 : i32, i32
  }
  func.func @transform_4(%arg0: i32) -> (i32, i32) {
    %c0_i32 = arith.constant 0 : i32
    %c0_i32_0 = arith.constant 0 : i32
    %c0_i32_1 = arith.constant 0 : i32
    return %c0_i32, %c0_i32_0 : i32, i32
  }
  func.func @transform_5(%arg0: i32) -> (i32, i32) {
    %c0_i32 = arith.constant 0 : i32
    %c0_i32_0 = arith.constant 0 : i32
    %c0_i32_1 = arith.constant 0 : i32
    return %c0_i32, %c0_i32_0 : i32, i32
  }
  func.func @transform_6(%arg0: i32) -> (i32, i32) {
    %c0_i32 = arith.constant 0 : i32
    %c0_i32_0 = arith.constant 0 : i32
    %c0_i32_1 = arith.constant 0 : i32
    return %c0_i32, %c0_i32_0 : i32, i32
  }
  func.func @transform_7(%arg0: i32) -> (i32, i32) {
    %c0_i32 = arith.constant 0 : i32
    %c0_i32_0 = arith.constant 0 : i32
    return %arg0, %c0_i32 : i32, i32
  }
  func.func @transform_8(%arg0: i32) -> (i32, i32) {
    %c0_i32 = arith.constant 0 : i32
    %c0_i32_0 = arith.constant 0 : i32
    return %arg0, %c0_i32 : i32, i32
  }
}

module attributes {stable_mosaic.version = 14 : i64} {
  func.func @_final_body(%arg0: i32, %arg1: memref<256x32xf32, #tpu.memory_space<vmem>>, %arg2: memref<256x32xf32, #tpu.memory_space<vmem>>, %arg3: memref<32x16xf32, #tpu.memory_space<vmem>>, %arg4: memref<32x16xf32, #tpu.memory_space<vmem>>, %arg5: memref<1x16xf32, #tpu.memory_space<vmem>>, %arg6: memref<256x16xf32, #tpu.memory_space<vmem>>) attributes {dimension_semantics = [#tpu.dimension_semantics<arbitrary>], iteration_bounds = array<i64: 40>, scalar_prefetch = 0 : i64, scratch_operands = 0 : i64, tpu.core_type = #tpu.core_type<tc>, window_params = [{transform_indices = @transform_0, window_bounds = array<i64: 256, 32>}, {transform_indices = @transform_1, window_bounds = array<i64: 256, 32>}, {pipeline_mode = #tpu.pipeline_mode<synchronous>, transform_indices = @transform_2, window_bounds = array<i64: 32, 16>}, {pipeline_mode = #tpu.pipeline_mode<synchronous>, transform_indices = @transform_3, window_bounds = array<i64: 32, 16>}, {pipeline_mode = #tpu.pipeline_mode<synchronous>, transform_indices = @transform_4, window_bounds = array<i64: 1, 16>}, {transform_indices = @transform_5, window_bounds = array<i64: 256, 16>}]} {
    %get3A = arith.constant 0 : index
    %get3A_0 = arith.constant 0 : index
    %get3A_1 = vector.load %arg1[%get3A, %get3A_0] : memref<256x32xf32, #tpu.memory_space<vmem>>, vector<256x32xf32>
    %get3A_2 = arith.constant 0 : index
    %get3A_3 = arith.constant 0 : index
    %get3A_4 = vector.load %arg2[%get3A_2, %get3A_3] : memref<256x32xf32, #tpu.memory_space<vmem>>, vector<256x32xf32>
    %add3A = arith.addf %get3A_1, %get3A_4 : vector<256x32xf32>
    %get3A_5 = arith.constant 0 : index
    %get3A_6 = arith.constant 0 : index
    %get3A_7 = vector.load %arg3[%get3A_5, %get3A_6] : memref<32x16xf32, #tpu.memory_space<vmem>>, vector<32x16xf32>
    %dot_general3A = arith.constant dense<0.000000e+00> : vector<256x16xf32>
    %dot_general3A_8 = tpu.matmul %add3A, %get3A_7, %dot_general3A {dimension_numbers = #tpu.dot_dimension_numbers<[1], [0], [0], [1], [0, 0, 1, 1], [], []>, precision = #tpu.contract_precision<fp32>, transpose_lhs_hint = false} : vector<256x32xf32>, vector<32x16xf32>, vector<256x16xf32> -> vector<256x16xf32>
    %get3A_9 = arith.constant 0 : index
    %get3A_10 = arith.constant 0 : index
    %get3A_11 = vector.load %arg4[%get3A_9, %get3A_10] : memref<32x16xf32, #tpu.memory_space<vmem>>, vector<32x16xf32>
    %dot_general3A_12 = arith.constant dense<0.000000e+00> : vector<256x16xf32>
    %dot_general3A_13 = tpu.matmul %add3A, %get3A_11, %dot_general3A_12 {dimension_numbers = #tpu.dot_dimension_numbers<[1], [0], [0], [1], [0, 0, 1, 1], [], []>, precision = #tpu.contract_precision<fp32>, transpose_lhs_hint = false} : vector<256x32xf32>, vector<32x16xf32>, vector<256x16xf32> -> vector<256x16xf32>
    %add3A_14 = arith.constant 1.000000e-16 : f32
    %add3A_15 = vector.broadcast %add3A_14 : f32 to vector<256x16xf32>
    %add3A_16 = arith.addf %dot_general3A_13, %add3A_15 : vector<256x16xf32>
    %div3A = arith.divf %dot_general3A_8, %add3A_16 : vector<256x16xf32>
    %get3A_17 = arith.constant 0 : index
    %get3A_18 = arith.constant 0 : index
    %get3A_19 = vector.load %arg5[%get3A_17, %get3A_18] : memref<1x16xf32, #tpu.memory_space<vmem>>, vector<1x16xf32>
    %add3A_20 = vector.broadcast %get3A_19 : vector<1x16xf32> to vector<256x16xf32>
    %add3A_21 = arith.addf %div3A, %add3A_20 : vector<256x16xf32>
    %reduce_max3A = arith.constant dense<0xFF800000> : vector<256xf32>
    %reduce_max3A_22 = vector.multi_reduction <maximumf>, %add3A_21, %reduce_max3A [1] : vector<256x16xf32> to vector<256xf32>
    %broadcast_in_dim3A = vector.shape_cast %reduce_max3A_22 : vector<256xf32> to vector<256x1xf32>
    %sub3A = vector.broadcast %broadcast_in_dim3A : vector<256x1xf32> to vector<256x16xf32>
    %sub3A_23 = arith.subf %add3A_21, %sub3A : vector<256x16xf32>
    %exp3A = math.exp %sub3A_23 : vector<256x16xf32>
    %reduce_sum3A = arith.constant dense<0.000000e+00> : vector<256xf32>
    %reduce_sum3A_24 = vector.multi_reduction <add>, %exp3A, %reduce_sum3A [1] : vector<256x16xf32> to vector<256xf32>
    %broadcast_in_dim3A_25 = vector.shape_cast %reduce_sum3A_24 : vector<256xf32> to vector<256x1xf32>
    %div3A_26 = vector.broadcast %broadcast_in_dim3A_25 : vector<256x1xf32> to vector<256x16xf32>
    %div3A_27 = arith.divf %exp3A, %div3A_26 : vector<256x16xf32>
    %swap3A = arith.constant 0 : index
    %swap3A_28 = arith.constant 0 : index
    %swap3A_29 = vector.load %arg6[%swap3A, %swap3A_28] : memref<256x16xf32, #tpu.memory_space<vmem>>, vector<256x16xf32>
    tpu.vector_store %arg6[%swap3A, %swap3A_28], %div3A_27 {strides = array<i32>} : memref<256x16xf32, #tpu.memory_space<vmem>>, vector<256x16xf32>,
    return
  }
  func.func @transform_0(%arg0: i32) -> (i32, i32) {
    %c0_i32 = arith.constant 0 : i32
    %c0_i32_0 = arith.constant 0 : i32
    return %arg0, %c0_i32 : i32, i32
  }
  func.func @transform_1(%arg0: i32) -> (i32, i32) {
    %c0_i32 = arith.constant 0 : i32
    %c0_i32_0 = arith.constant 0 : i32
    return %arg0, %c0_i32 : i32, i32
  }
  func.func @transform_2(%arg0: i32) -> (i32, i32) {
    %c0_i32 = arith.constant 0 : i32
    %c0_i32_0 = arith.constant 0 : i32
    %c0_i32_1 = arith.constant 0 : i32
    return %c0_i32, %c0_i32_0 : i32, i32
  }
  func.func @transform_3(%arg0: i32) -> (i32, i32) {
    %c0_i32 = arith.constant 0 : i32
    %c0_i32_0 = arith.constant 0 : i32
    %c0_i32_1 = arith.constant 0 : i32
    return %c0_i32, %c0_i32_0 : i32, i32
  }
  func.func @transform_4(%arg0: i32) -> (i32, i32) {
    %c0_i32 = arith.constant 0 : i32
    %c0_i32_0 = arith.constant 0 : i32
    %c0_i32_1 = arith.constant 0 : i32
    return %c0_i32, %c0_i32_0 : i32, i32
  }
  func.func @transform_5(%arg0: i32) -> (i32, i32) {
    %c0_i32 = arith.constant 0 : i32
    %c0_i32_0 = arith.constant 0 : i32
    return %arg0, %c0_i32 : i32, i32
  }
}

</mosaic_0001>

<sc_bundles>
// kernel: kernel.10.cloned.1.call-start
scs
__scs_entry_jumppad:
0x0: {  	(pc) =	sbr.rel $0x88, $3  }
0x1: {  	(tag) =	ssettag $0x0;
	lr =	simm.s32 $0x1  }
0x2: {  	[smem:$0x3F97] =	sst lr;
	_ =	strace $0xD0000000  }
0x3: {  	_ = 	snop  }
0x4: {  	_ = 	snop  }
0x5: {  	_ = 	snop  }
0x6: {  	_ = 	snop  }
0x7: {  	_ = 	snop  }
__scs_overlays_trampoline_lowered:
0x8: {  	[smem:$0x3FA6] =	sst s0  }
0x9: {  	[smem:$0x3FA7] =	sst s1  }
0xa: {  	[smem:$0x3FA8] =	sst s2  }
0xb: {  	[smem:$0x3FA9] =	sst s3  }
0xc: {  	[smem:$0x3FAA] =	sst s4  }
0xd: {  	[smem:$0x3FAB] =	sst s5  }
0xe: {  	[smem:$0x3FAC] =	sst s6  }
0xf: {  	[smem:$0x3FAD] =	sst s7  }
0x10: {  	[smem:$0x3FAE] =	sst s8  }
0x11: {  	[smem:$0x3FAF] =	sst s9;
	s0 =	simm.s32 @!p0 $0x0  }
0x12: {  	s1 =	sld [smem:$0x3F95];
	s0 =	simm.s32 @p0 $0x1  }
0x13: {  	[smem:$0x3FB0] =	sst s0;
	s0 =	simm.s32 @!p1 $0x0  }
0x14: {  	s2 =	sld [smem:$0x3F94];
	s0 =	simm.s32 @p1 $0x1  }
0x15: {  	[smem:$0x3FB1] =	sst s0;
	s0 =	simm.s32 @!p2 $0x0  }
0x16: {  	s3 =	sld [smem:$0x3FDB];
	s0 =	simm.s32 @p2 $0x1  }
0x17: {  	s4 =	simm.s32 $0x1BF5;
	[smem:$0x3FB3] =	sst s0  }
0x18: {  	s0 =	sld [smem:$0x3F96];
	_ =	swait.ge [sflag:s4], $0x0  }
0x19: {  	s7 =	sld [smem:$0x3F97]  }
0x1a: {  	s8 =	sadd.s32 $0xFFFFE003, lr  }
0x1b: {  	s9 =	sadd.s32 $0xFFFFFEF7, lr;
	s5 =	simm.s32 $0xFFFFFFFF;
	p2 =	slt.u32 s8, $0xFFFFF086  }
0x1c: {  	p1 =	slt.u32 s9, $0xF7A;
	s5 =	simm.s32 @!p2 $0x0  }
0x1d: {  	s5 =	simm.s32 @p1 $0x1;
	p0 =	seq.s32 s7, s2  }
0x1e: {  	s7 =	smul.u32 @!p0 $0xF7A, s2;
	p2 =	seq.s32 @!p0 s5, $0x0  }
0x1f: {  	s9 =	smul.u32 $0xF7A, s1;
	s8 =	simm.s32 @!p0 $0x1BF5;
	p2 =	por !p2, p0  }
0x20: {  	[sflag:s8] =	ssyncset.s32 @!p0 $0xFFFFF086;
	s6 =	sadd.s32 @!p0 s3, s7;
	s7 =	simm.s32 @!p0 $0x108  }
0x21: {  	s3 =	sadd.s32 s3, s9;
	s6 =	sadd.s32 @!p0 $0x88, s6;
	s7 =	simm.s32 @p2 $0x1082  }
0x22: {  	[simem:s7], [sflag:s8] =	dma.local @!p0 [hbm:s6], $0xF7A  }
0x23: {  	s9 =	sor.u32 $0xD0000000, s2;
	s6 =	simm.s32 $0x108;
	_ =	swait.ge @!p0 [sflag:s8], $0x0  }
0x24: {  	s3 =	sadd.s32 $0x88, s3;
	s6 =	simm.s32 @!p1 $0x1082;
	[sflag:s4] =	ssyncset.s32 $0xFFFFF086  }
0x25: {  	[simem:s6], [sflag:s4] =	dma.local [hbm:s3], $0xF7A  }
0x26: {  	[smem:$0x3F97] =	sst s1;
	(tag) =	ssettag s2;
	_ =	strace s9  }
0x27: {  	s1 =	sld [smem:$0x3FA7]  }
0x28: {  	s2 =	sld [smem:$0x3FA8]  }
0x29: {  	s4 =	sld [smem:$0x3FAA]  }
0x2a: {  	p0 =	seq.s32 s5, $0x0;
	s5 =	sld [smem:$0x3FAB]  }
0x2b: {  	s6 =	sld [smem:$0x3FAC]  }
0x2c: {  	s7 =	sld [smem:$0x3FAD]  }
0x2d: {  	s3 =	simm.s32 $0x108;
	s8 =	sld [smem:$0x3FAE]  }
0x2e: {  	s3 =	simm.s32 @!p0 $0x1082;
	s9 =	sld [smem:$0x3FAF]  }
0x2f: {  	lr =	sadd.s32 s0, s3;
	s0 =	sld [smem:$0x3FA6]  }
0x30: {  	s3 =	sld [smem:$0x3FA9]  }
0x31: {  	[smem:$0x3FB2] =	sst s10  }
0x32: {  	s10 =	sld [smem:$0x3FB0];
	_ =	sdelay $0x3  }
0x33: {  	p0 =	seq.s32 s10, $0x1;
	s10 =	sld [smem:$0x3FB2];
	_ =	sdelay $0x3  }
0x34: {  	[smem:$0x3FB2] =	sst s10  }
0x35: {  	s10 =	sld [smem:$0x3FB1];
	_ =	sdelay $0x3  }
0x36: {  	p1 =	seq.s32 s10, $0x1;
	s10 =	sld [smem:$0x3FB2];
	_ =	sdelay $0x3  }
0x37: {  	[smem:$0x3FB2] =	sst s10  }
0x38: {  	s10 =	sld [smem:$0x3FB3]  }
0x39: {  	_ = 	snop;
	(pc) =	sbr.ind lr, $3  }
0x3a: {  	_ = 	snop  }
0x3b: {  	_ = 	snop  }
0x3c: {  	p2 =	seq.s32 s10, $0x1;
	s10 =	sld [smem:$0x3FB2]  }
0x3d: {  	_ =	shalt  }
0x3e: {  	_ =	shalt  }
0x3f: {  	_ =	shalt  }
0x40: {  	_ =	shalt  }
0x41: {  	_ =	shalt  }
0x42: {  	_ =	shalt  }
0x43: {  	_ =	shalt  }
0x44: {  	_ =	shalt  }
0x45: {  	_ =	shalt  }
0x46: {  	_ =	shalt  }
0x47: {  	_ =	shalt  }
0x48: {  	_ =	shalt  }
0x49: {  	_ =	shalt  }
0x4a: {  	_ =	shalt  }
0x4b: {  	_ =	shalt  }
0x4c: {  	_ =	shalt  }
0x4d: {  	_ =	shalt  }
0x4e: {  	_ =	shalt  }
0x4f: {  	_ =	shalt  }
0x50: {  	_ =	shalt  }
0x51: {  	_ =	shalt  }
0x52: {  	_ =	shalt  }
0x53: {  	_ =	shalt  }
0x54: {  	_ =	shalt  }
0x55: {  	_ =	shalt  }
0x56: {  	_ =	shalt  }
0x57: {  	_ =	shalt  }
0x58: {  	_ =	shalt  }
0x59: {  	_ =	shalt  }
0x5a: {  	_ =	shalt  }
0x5b: {  	_ =	shalt  }
0x5c: {  	_ =	shalt  }
0x5d: {  	_ =	shalt  }
0x5e: {  	_ =	shalt  }
0x5f: {  	_ =	shalt  }
0x60: {  	_ =	shalt  }
0x61: {  	_ =	shalt  }
0x62: {  	_ =	shalt  }
0x63: {  	_ =	shalt  }
0x64: {  	_ =	shalt  }
0x65: {  	_ =	shalt  }
0x66: {  	_ =	shalt  }
0x67: {  	_ =	shalt  }
0x68: {  	_ =	shalt  }
0x69: {  	_ =	shalt  }
0x6a: {  	_ =	shalt  }
0x6b: {  	_ =	shalt  }
0x6c: {  	_ =	shalt  }
0x6d: {  	_ =	shalt  }
0x6e: {  	_ =	shalt  }
0x6f: {  	_ =	shalt  }
0x70: {  	_ =	shalt  }
0x71: {  	_ =	shalt  }
0x72: {  	_ =	shalt  }
0x73: {  	_ =	shalt  }
0x74: {  	_ =	shalt  }
0x75: {  	_ =	shalt  }
0x76: {  	_ =	shalt  }
0x77: {  	_ =	shalt  }
0x78: {  	_ =	shalt  }
0x79: {  	_ =	shalt  }
0x7a: {  	_ =	shalt  }
0x7b: {  	_ =	shalt  }
0x7c: {  	_ =	shalt  }
0x7d: {  	_ =	shalt  }
0x7e: {  	_ =	shalt  }
0x7f: {  	_ =	shalt  }
0x80: {  	_ =	shalt  }
0x81: {  	_ =	shalt  }
0x82: {  	_ =	shalt  }
0x83: {  	_ =	shalt  }
0x84: {  	_ =	shalt  }
0x85: {  	_ =	shalt  }
0x86: {  	_ =	shalt  }
0x87: {  	_ =	shalt  }
.Lfunc_end0:
.L_simem_size_0:
called_computation.1_lowered:
.L_overlay_start_0:
0x88: {  	s2 =	sld [smem:$0x3FD9]  }
0x89: {  	s3 =	sld [smem:$0x3FFE];
	_ =	sdelay $0x1  }
0x8a: {  	s1 =	srdreg.scid  }
0x8b: {  	s0 =	sand.u32 $0x1, s1  }
0x8c: {  	s17 =	sshll.u32 s0, $0xA;
	s2 =	sadd.s32 s3, s2  }
0x8d: {  	s2 =	sadd.s32 s2, s17  }
0x8e: {  	[smem:$0x3FBE] =	sst s2  }
0x8f: {  	_ = 	snop  }
0x90: {  	s2 =	sld [smem:$0x3FD0];
	(tm) =	ssettm $0x1  }
0x91: {  	s18 =	sld [smem:$0x3FFB];
	_ =	sdelay $0x3  }
0x92: {  	_ =	strace s18  }
0x93: {  	s3 =	sld [smem:$0x3FFC];
	_ =	sdelay $0x3  }
0x94: {  	_ =	strace s3  }
0x95: {  	s3 =	sld [smem:$0x3FFD];
	_ =	sdelay $0x3  }
0x96: {  	_ =	strace s3  }
0x97: {  	_ =	strace $0x8FFFFFFF  }
0x98: {  	s19 =	sld [smem:$0x3FDB];
	_ =	sdelay $0x1  }
0x99: {  	s4 =	simm.s32 $_scs_section_size  }
0x9a: {  	s5 =	simm.s32 $_size__tile_overlayer_lowered;
	s6 =	simm.s32 $_tile_overlayer_lowered  }
0x9b: {  	s22 =	simm.s32 $0x1BFF;
	s21 =	sshll.u32 s6, $0x1;
	s3 =	sadd.s32 s4, s19  }
0x9c: {  	s7 =	simm.s32 $0x0;
	s20 =	sshll.u32 s5, $0x1;
	s5 =	sadd.s32 s21, s3  }
0x9d: {  	[timem:s7], [sflag:s22] =	dma.local [hbm:s5], s20  }
0x9e: {  	_ =	swait.ge [sflag:s22], s20  }
0x9f: {  	s4 =	ssub.s32 $0x0, s20;
	[sflag:s22] =	ssyncset.done $0x0  }
0xa0: {  	[sflag:s22] =	ssyncadd.s32 s4;
	_ =	sdelay $0x1  }
0xa1: {  	s23 =	simm.s32 $0x1B8B  }
0xa2: {  	_ =	swait.ge [sflag:s23], $0x1  }
0xa3: {  	[sflag:s23] =	ssyncset.done $0x0  }
0xa4: {  	s25 =	simm.s32 $0x1B8E;
	s24 =	sld [smem:$0x3FFE];
	[sflag:s23] =	ssyncadd.s32 $0xFFFFFFFF  }
0xa5: {  	s26 =	simm.s32 $execute0_lowered;
	[smem:$0x3FD2] =	sst s25  }
0xa6: {  	s5 =	sshll.u32 s26, $0x1;
	_ =	strace $0x80000049;
	[dreg:$0x1] =	wrdreg $0xFFFFFFFF  }
0xa7: {  	s28 =	simm.s32 $_size_execute0_lowered;
	s3 =	sadd.s32 s3, s5;
	[dreg:$0x0] =	wrdreg $0x0  }
0xa8: {  	s5 =	sshll.u32 s28, $0x1;
	[dreg:$0x2] =	wrdreg s3  }
0xa9: {  	[dreg:$0x3] =	wrdreg s5  }
0xaa: {  	[dreg:$0x4] =	wrdreg $0xC0  }
0xab: {  	_ =	task [dreg:s7], $0x5FFFF  }
0xac: {  	[dreg:$0x1] =	wrdreg $0xFFFFFFFF  }
0xad: {  	[dreg:$0x0] =	wrdreg $0x60  }
0xae: {  	[dreg:$0x2] =	wrdreg s24  }
0xaf: {  	[dreg:$0x3] =	wrdreg s2  }
0xb0: {  	[dreg:$0x4] =	wrdreg $0x19A00  }
0xb1: {  	[dreg:$0x5] =	wrdreg $0x9  }
0xb2: {  	_ =	task.clear_ibuf [dreg:s7], $0x6FFFF;
	_ =	strace $0x90000049  }
0xb3: {  	s29 =	simm.s32 $0x9;
	_ =	strace $0x8000004B  }
0xb4: {  	_ =	swait.ge [sflag:s29], $0x1  }
0xb5: {  	[sflag:s29] =	ssyncadd.s32 $0xFFFFFFFF  }
0xb6: {  	_ =	strace $0x9000004B  }
0xb7: {  	_ =	sfence  }
0xb8: {  	s30 =	sld [smem:$0x0];
	_ =	sdelay $0x2  }
0xb9: {  	s31 =	sshll.u32 s1, $0xD;
	s1 =	sshrl.u32 s1, $0x2  }
0xba: {  	s3 =	sand.u32 $0x4000, s31;
	s1 =	sadd.s32 s1, s30  }
0xbb: {  	s0 =	sor.u32 s3, s0;
	s1 =	sshll.u32 s1, $0x11  }
0xbc: {  	s0 =	sor.u32 s1, s0  }
0xbd: {  	s0 =	sadd.s32 $0x8F2B, s0  }
0xbe: {  	[sflag:s0] =	ssyncadd.remote.s32 $0x1  }
0xbf: {  	_ =	sfence.sel $0xFFFF  }
0xc0: {  	[dreg:$0x0] =	wrdreg $0xFFFFFFFF;
	(pc) =	sbr.abs _section_cstart, $3  }
0xc1: {  	[dreg:$0x1] =	wrdreg $0xFFFFFFFF  }
0xc2: {  	_ =	task.clear_ibuf [dreg:s7], $0x2FFFF;
	_ =	strace $0x9FFFFFFF  }
0xc3: {  	(tm) =	ssettm $0x7FFFFFFF  }
tec
execute0_lowered:
.L_overlay_start_1:
0x0: {  	(tag) =	ssettag $0x1  }
0x1: {  	s9 =	rddreg [dreg:$0x0]  }
0x2: {  	s2 =	rddreg [dreg:$0x1]  }
0x3: {  	s3 =	rddreg [dreg:$0x2]  }
0x4: {  	s0 =	rddreg [dreg:$0x3];
	s5 =	srdreg.scid  }
0x5: {  	s1 =	stileid.u32;
	s4 =	simm.s32 $0x0;
	s15 =	simm.s32 $0x50  }
0x6: {  	s16 =	simm.s32 $0xA0;
	s17 =	simm.s32 $0xFA0;
	s10 =	sand.u32 $0x1, s5  }
0x7: {  	s11 =	smul.u32 $0x5000, s1;
	[smem:$0x7FF] =	sst s4;
	s5 =	sadd.s32 $0x400, s9  }
0x8: {  	s6 =	sadd.s32 $0xA400, s9;
	s7 =	sadd.s32 $0x28200, s9;
	s31 =	sshll.u32 s1, $0x6  }
0x9: {  	s8 =	smul.u32 $0x50000, s10;
	s13 =	ssub.s32 $0x2, s10;
	s29 =	sshll.u32 s10, $0x4  }
0xa: {  	_ =	strace $0x8000004A;
	s14 =	sshrl.u32 s13, $0x1;
	s10 =	sor.u32 s1, s29  }
0xb: {  	s30 =	sadd.s32 s11, s3;
	s12 =	sadd.s32 s11, s8;
	s8 =	sadd.s32 $0x1E400, s9  }
0xc: {  	s13 =	ssub.s32 s13, s14;
	s10 =	smul.u32 $0x2710, s10;
	s12 =	sshrl.u32 s12, $0x3  }
0xd: {  	s14 =	simm.s32 $0x1;
	s12 =	sadd.s32 s12, s9;
	s9 =	sor.u32 $0x1C01, s31  }
0xe: {  	v0 =	vimm.s32 $0x0;
	s11 =	sadd.s32 $0x32000, s12;
	s12 =	smax.u32 s13, $0x1;
	s13 =	sshrl.u32 s30, $0x3  }
.LBB2_1:
0xf: {  	[spmem:s13], [sflag:s9] =	dma.local [hbm:s2], $0xA00  }
0x10: {  	_ =	swait.ge [sflag:s14], $0xA00  }
0x11: {  	[sflag:s14] =	ssyncset.done $0x0  }
0x12: {  	[sflag:s14] =	ssyncadd.s32 $0xFFFFF600  }
0x13: {  	s18 =	simm.s32 $0x0;
	[bflag:$0x0] =	sbarrier.arrive $0xFFFF  }
.LBB2_2:
0x14: {  	s19 =	smul.u32 $0x50, s18;
	_ =	sdelay $0x1  }
0x15: {  	s19 =	sadd.s32 s10, s19  }
0x16: {  	s19 =	sshrl.u32 s19, $0x3  }
0x17: {  	s21 =	simm.s32 $0x0;
	s20 =	sadd.s32 s7, s19  }
0x18: {  	[tilespmem:s21], [sflag:$0x1] =	stream.linear.gather [hbm4b:s20+s21], $0x50, $0x38;
	[tilespmem:$0x69A0] =	vst v63  }
0x19: {  	_ =	swait.ge [sflag:s14], $0x50  }
0x1a: {  	[sflag:s14] =	ssyncset.done $0x0  }
0x1b: {  	s19 =	sadd.s32 s8, s19;
	[sflag:s14] =	ssyncadd.s32 $0xFFFFFFB0  }
0x1c: {  	[tilespmem:s15], [sflag:$0x1] =	stream.linear.gather [hbm4b:s19+s21], $0x50, $0x38;
	[tilespmem:$0x69A0] =	vst v63  }
0x1d: {  	_ =	swait.ge [sflag:s14], $0x50  }
0x1e: {  	[sflag:s14] =	ssyncset.done $0x0  }
0x1f: {  	[sflag:s14] =	ssyncadd.s32 $0xFFFFFFB0  }
0x20: {  	[tilespmem:s16], [sflag:$0x1] =	stream.indirect.gather [hbm4b:s5+s15], $0x20, s21, s15, $0xb8;
	[tilespmem:$0x69A0] =	vst v63  }
0x21: {  	_ =	swait.ge [sflag:s14], $0xA00  }
0x22: {  	[sflag:s14] =	ssyncset.done $0x0  }
0x23: {  	s20 =	simm.s32 $0xAA0;
	[sflag:s14] =	ssyncadd.s32 $0xFFFFF600  }
0x24: {  	[tilespmem:s20], [sflag:$0x1] =	stream.indirect.gather [hbm4b:s6+s15], $0x10, s15, s15, $0xb8;
	[tilespmem:$0x69A0] =	vst v63  }
0x25: {  	_ =	swait.ge [sflag:s14], $0x500  }
0x26: {  	[sflag:s14] =	ssyncset.done $0x0  }
0x27: {  	s19 =	simm.s32 $0x0;
	[sflag:s14] =	ssyncadd.s32 $0xFFFFFB00  }
0x28: {  	s21 =	simm.s32 $0x80;
	v1 =	vld [tilespmem:s19+$0xB0]  }
.LBB2_3:
0x29: {  	p0 =	sne.s32 s21, $0x2780;
	v2 =	vld [tilespmem:s20+$0x0];
	_ =	sdelay $0x4  }
0x2a: {  	v1 =	vadd.f32 v2, v1;
	_ =	sdelay $0x1  }
0x2b: {  	v2 =	vmul.f32 $2.000000030e-01, v1  }
0x2c: {  	vm0 =	vlt.f32 v1, $0.0e+00  }
0x2d: {  	v1 =	vsel vm0, v2, v1  }
0x2e: {  	v1 =	vmul.f32 $1.442695020e+00, v1;
	_ =	sdelay $0x1  }
0x2f: {  	(erf) = vpow2.f32 v1;
	_ =	sdelay $0x6  }
0x30: {  	v1 =	vld [tilespmem:s19+$0xA0];
	_ =	sdelay $0x1  }
0x31: {  	v2 =	vpop (erf)  }
.Ltmp0:
0x32: {  	v2 =	vperm.xlane v2, v0;
	(pc) =	sbr.rel @p0 .LBB2_3-.Ltmp0, $4  }
0x33: {  	_ = 	snop  }
0x34: {  	v3 =	vmul.f32 v2, v1;
	[tilespmem:s19+$0xFB0] =	vst v2  }
0x35: {  	s22 =	sshra.s32 s21, $0x2  }
0x36: {  	s21 =	sadd.s32 $0x80, s21;
	s20 =	sadd.s32 $0x10, s20;
	v1 =	vld [tilespmem:s22+$0xB0];
	[tilespmem:s19+$0xFA0] =	vst v3;
	s19 =	smov.u32 s22  }
0x37: {  	v2 =	vld [tilespmem:s20+$0x0];
	_ =	sdelay $0x4  }
0x38: {  	v1 =	vadd.f32 v2, v1;
	_ =	sdelay $0x1  }
0x39: {  	v2 =	vmul.f32 $2.000000030e-01, v1  }
0x3a: {  	vm0 =	vlt.f32 v1, $0.0e+00  }
0x3b: {  	v1 =	vsel vm0, v2, v1  }
0x3c: {  	v1 =	vmul.f32 $1.442695020e+00, v1;
	_ =	sdelay $0x1  }
0x3d: {  	(erf) = vpow2.f32 v1;
	_ =	sdelay $0x6  }
0x3e: {  	v1 =	vld [tilespmem:s19+$0xA0];
	_ =	sdelay $0x1  }
0x3f: {  	v2 =	vpop (erf)  }
0x40: {  	v2 =	vperm.xlane v2, v0;
	_ =	sdelay $0x1  }
0x41: {  	s18 =	sadd.s32 $0x1, s18;
	v1 =	vmul.f32 v2, v1  }
0x42: {  	p0 =	sne.s32 s18, $0x7D;
	[tilespmem:s19+$0xFB0] =	vst v2  }
.Ltmp1:
0x43: {  	[tilespmem:s19+$0xFA0] =	vst v1;
	(pc) =	sbr.rel @p0 .LBB2_2-.Ltmp1, $4  }
0x44: {  	[spmem:s3] =	stream.indirect.scatter.add.f32 [tilespmem:s17], [sflag:$0x1], $0x20, s15, s15, $0xb8;
	[tilespmem:$0x69A0] =	vst v63  }
0x45: {  	_ =	swait.ge [sflag:s14], $0xA00  }
0x46: {  	[sflag:s14] =	ssyncset.done $0x0  }
0x47: {  	[sflag:s14] =	ssyncadd.s32 $0xFFFFF600  }
0x48: {  	s4 =	sadd.s32 $0x1, s4  }
0x49: {  	p0 =	sne.s32 s4, s12  }
.Ltmp2:
0x4a: {  	[bflag:$0x0] =	sbarrier.arrive $0xFFFF;
	(pc) =	sbr.rel @p0 .LBB2_1-.Ltmp2, $4  }
0x4b: {  	[hbm:s11], [sflag:s9] =	dma.local [spmem:s13], $0xA00  }
0x4c: {  	_ =	swait.ge [sflag:s14], $0xA00  }
0x4d: {  	[sflag:s14] =	ssyncset.done $0x0  }
0x4e: {  	[sflag:s14] =	ssyncadd.s32 $0xFFFFF600  }
0x4f: {  	_ =	sfence.sel $0x180000  }
0x50: {  	[bflag:$0x0] =	sbarrier.arrive $0xFFFF  }
0x51: {  	p0 =	sne.s32 s1, $0x0;
	_ =	strace $0x9000004A  }
0x52: {  	s0 =	sadd.s32 @!p0 $0x100000, s0;
	[bflag:$0x2] =	sbarrier.arrive $0xFFFF  }
0x53: {  	[sflag:s0] =	ssyncadd.tile.s32 @!p0 $0x1;
	_ =	shalt  }
.Lfunc_end2:
_tile_overlayer_lowered:
.L_overlay_start_2:
0x54: {  	(tag) =	ssettag $0x2  }
0x55: {  	s0 =	rddreg [dreg:$0x0];
	s2 =	stileid.u32  }
0x56: {  	s1 =	rddreg [dreg:$0x1];
	p0 =	sne.s32 s2, $0x0  }
0x57: {  	s3 =	rddreg [dreg:$0x2];
	[bflag:$0x3] =	sbarrier.arrive $0xFFFF;
	s2 =	simm.s32 @!p0 $0x1C01  }
0x58: {  	[timem:s3], [sflag:s2] =	dma.local @!p0 [hbm:s0], s1  }
0x59: {  	s0 =	simm.s32 @!p0 $0x1  }
0x5a: {  	_ =	swait.ge @!p0 [sflag:s0], s1  }
0x5b: {  	s1 =	ssub.s32 @!p0 $0x0, s1;
	[sflag:s0] =	ssyncset.done @!p0 $0x0  }
0x5c: {  	[sflag:s0] =	ssyncadd.s32 @!p0 s1  }
0x5d: {  	[bflag:$0x3] =	sbarrier.arrive $0xFFFF  }
0x5e: {  	_ =	shalt  }

// kernel: kernel.7.cloned.1.call-start
scs
__scs_entry_jumppad:
0x0: {  	(pc) =	sbr.rel $0x88, $3  }
0x1: {  	(tag) =	ssettag $0x0;
	lr =	simm.s32 $0x1  }
0x2: {  	[smem:$0x3F97] =	sst lr;
	_ =	strace $0xD0000000  }
0x3: {  	_ = 	snop  }
0x4: {  	_ = 	snop  }
0x5: {  	_ = 	snop  }
0x6: {  	_ = 	snop  }
0x7: {  	_ = 	snop  }
__scs_overlays_trampoline_lowered:
0x8: {  	[smem:$0x3FA6] =	sst s0  }
0x9: {  	[smem:$0x3FA7] =	sst s1  }
0xa: {  	[smem:$0x3FA8] =	sst s2  }
0xb: {  	[smem:$0x3FA9] =	sst s3  }
0xc: {  	[smem:$0x3FAA] =	sst s4  }
0xd: {  	[smem:$0x3FAB] =	sst s5  }
0xe: {  	[smem:$0x3FAC] =	sst s6  }
0xf: {  	[smem:$0x3FAD] =	sst s7  }
0x10: {  	[smem:$0x3FAE] =	sst s8  }
0x11: {  	[smem:$0x3FAF] =	sst s9;
	s0 =	simm.s32 @!p0 $0x0  }
0x12: {  	s1 =	sld [smem:$0x3F95];
	s0 =	simm.s32 @p0 $0x1  }
0x13: {  	[smem:$0x3FB0] =	sst s0;
	s0 =	simm.s32 @!p1 $0x0  }
0x14: {  	s2 =	sld [smem:$0x3F94];
	s0 =	simm.s32 @p1 $0x1  }
0x15: {  	[smem:$0x3FB1] =	sst s0;
	s0 =	simm.s32 @!p2 $0x0  }
0x16: {  	s3 =	sld [smem:$0x3FDB];
	s0 =	simm.s32 @p2 $0x1  }
0x17: {  	s4 =	simm.s32 $0x1BF5;
	[smem:$0x3FB3] =	sst s0  }
0x18: {  	s0 =	sld [smem:$0x3F96];
	_ =	swait.ge [sflag:s4], $0x0  }
0x19: {  	s7 =	sld [smem:$0x3F97]  }
0x1a: {  	s8 =	sadd.s32 $0xFFFFE003, lr  }
0x1b: {  	s9 =	sadd.s32 $0xFFFFFEF7, lr;
	s5 =	simm.s32 $0xFFFFFFFF;
	p2 =	slt.u32 s8, $0xFFFFF086  }
0x1c: {  	p1 =	slt.u32 s9, $0xF7A;
	s5 =	simm.s32 @!p2 $0x0  }
0x1d: {  	s5 =	simm.s32 @p1 $0x1;
	p0 =	seq.s32 s7, s2  }
0x1e: {  	s7 =	smul.u32 @!p0 $0xF7A, s2;
	p2 =	seq.s32 @!p0 s5, $0x0  }
0x1f: {  	s9 =	smul.u32 $0xF7A, s1;
	s8 =	simm.s32 @!p0 $0x1BF5;
	p2 =	por !p2, p0  }
0x20: {  	[sflag:s8] =	ssyncset.s32 @!p0 $0xFFFFF086;
	s6 =	sadd.s32 @!p0 s3, s7;
	s7 =	simm.s32 @!p0 $0x108  }
0x21: {  	s3 =	sadd.s32 s3, s9;
	s6 =	sadd.s32 @!p0 $0x88, s6;
	s7 =	simm.s32 @p2 $0x1082  }
0x22: {  	[simem:s7], [sflag:s8] =	dma.local @!p0 [hbm:s6], $0xF7A  }
0x23: {  	s9 =	sor.u32 $0xD0000000, s2;
	s6 =	simm.s32 $0x108;
	_ =	swait.ge @!p0 [sflag:s8], $0x0  }
0x24: {  	s3 =	sadd.s32 $0x88, s3;
	s6 =	simm.s32 @!p1 $0x1082;
	[sflag:s4] =	ssyncset.s32 $0xFFFFF086  }
0x25: {  	[simem:s6], [sflag:s4] =	dma.local [hbm:s3], $0xF7A  }
0x26: {  	[smem:$0x3F97] =	sst s1;
	(tag) =	ssettag s2;
	_ =	strace s9  }
0x27: {  	s1 =	sld [smem:$0x3FA7]  }
0x28: {  	s2 =	sld [smem:$0x3FA8]  }
0x29: {  	s4 =	sld [smem:$0x3FAA]  }
0x2a: {  	p0 =	seq.s32 s5, $0x0;
	s5 =	sld [smem:$0x3FAB]  }
0x2b: {  	s6 =	sld [smem:$0x3FAC]  }
0x2c: {  	s7 =	sld [smem:$0x3FAD]  }
0x2d: {  	s3 =	simm.s32 $0x108;
	s8 =	sld [smem:$0x3FAE]  }
0x2e: {  	s3 =	simm.s32 @!p0 $0x1082;
	s9 =	sld [smem:$0x3FAF]  }
0x2f: {  	lr =	sadd.s32 s0, s3;
	s0 =	sld [smem:$0x3FA6]  }
0x30: {  	s3 =	sld [smem:$0x3FA9]  }
0x31: {  	[smem:$0x3FB2] =	sst s10  }
0x32: {  	s10 =	sld [smem:$0x3FB0];
	_ =	sdelay $0x3  }
0x33: {  	p0 =	seq.s32 s10, $0x1;
	s10 =	sld [smem:$0x3FB2];
	_ =	sdelay $0x3  }
0x34: {  	[smem:$0x3FB2] =	sst s10  }
0x35: {  	s10 =	sld [smem:$0x3FB1];
	_ =	sdelay $0x3  }
0x36: {  	p1 =	seq.s32 s10, $0x1;
	s10 =	sld [smem:$0x3FB2];
	_ =	sdelay $0x3  }
0x37: {  	[smem:$0x3FB2] =	sst s10  }
0x38: {  	s10 =	sld [smem:$0x3FB3]  }
0x39: {  	_ = 	snop;
	(pc) =	sbr.ind lr, $3  }
0x3a: {  	_ = 	snop  }
0x3b: {  	_ = 	snop  }
0x3c: {  	p2 =	seq.s32 s10, $0x1;
	s10 =	sld [smem:$0x3FB2]  }
0x3d: {  	_ =	shalt  }
0x3e: {  	_ =	shalt  }
0x3f: {  	_ =	shalt  }
0x40: {  	_ =	shalt  }
0x41: {  	_ =	shalt  }
0x42: {  	_ =	shalt  }
0x43: {  	_ =	shalt  }
0x44: {  	_ =	shalt  }
0x45: {  	_ =	shalt  }
0x46: {  	_ =	shalt  }
0x47: {  	_ =	shalt  }
0x48: {  	_ =	shalt  }
0x49: {  	_ =	shalt  }
0x4a: {  	_ =	shalt  }
0x4b: {  	_ =	shalt  }
0x4c: {  	_ =	shalt  }
0x4d: {  	_ =	shalt  }
0x4e: {  	_ =	shalt  }
0x4f: {  	_ =	shalt  }
0x50: {  	_ =	shalt  }
0x51: {  	_ =	shalt  }
0x52: {  	_ =	shalt  }
0x53: {  	_ =	shalt  }
0x54: {  	_ =	shalt  }
0x55: {  	_ =	shalt  }
0x56: {  	_ =	shalt  }
0x57: {  	_ =	shalt  }
0x58: {  	_ =	shalt  }
0x59: {  	_ =	shalt  }
0x5a: {  	_ =	shalt  }
0x5b: {  	_ =	shalt  }
0x5c: {  	_ =	shalt  }
0x5d: {  	_ =	shalt  }
0x5e: {  	_ =	shalt  }
0x5f: {  	_ =	shalt  }
0x60: {  	_ =	shalt  }
0x61: {  	_ =	shalt  }
0x62: {  	_ =	shalt  }
0x63: {  	_ =	shalt  }
0x64: {  	_ =	shalt  }
0x65: {  	_ =	shalt  }
0x66: {  	_ =	shalt  }
0x67: {  	_ =	shalt  }
0x68: {  	_ =	shalt  }
0x69: {  	_ =	shalt  }
0x6a: {  	_ =	shalt  }
0x6b: {  	_ =	shalt  }
0x6c: {  	_ =	shalt  }
0x6d: {  	_ =	shalt  }
0x6e: {  	_ =	shalt  }
0x6f: {  	_ =	shalt  }
0x70: {  	_ =	shalt  }
0x71: {  	_ =	shalt  }
0x72: {  	_ =	shalt  }
0x73: {  	_ =	shalt  }
0x74: {  	_ =	shalt  }
0x75: {  	_ =	shalt  }
0x76: {  	_ =	shalt  }
0x77: {  	_ =	shalt  }
0x78: {  	_ =	shalt  }
0x79: {  	_ =	shalt  }
0x7a: {  	_ =	shalt  }
0x7b: {  	_ =	shalt  }
0x7c: {  	_ =	shalt  }
0x7d: {  	_ =	shalt  }
0x7e: {  	_ =	shalt  }
0x7f: {  	_ =	shalt  }
0x80: {  	_ =	shalt  }
0x81: {  	_ =	shalt  }
0x82: {  	_ =	shalt  }
0x83: {  	_ =	shalt  }
0x84: {  	_ =	shalt  }
0x85: {  	_ =	shalt  }
0x86: {  	_ =	shalt  }
0x87: {  	_ =	shalt  }
.Lfunc_end0:
.L_simem_size_0:
called_computation_lowered:
.L_overlay_start_0:
0x88: {  	s2 =	sld [smem:$0x3FD9]  }
0x89: {  	s3 =	sld [smem:$0x3FFE];
	_ =	sdelay $0x1  }
0x8a: {  	s1 =	srdreg.scid  }
0x8b: {  	s0 =	sand.u32 $0x1, s1  }
0x8c: {  	s17 =	sshll.u32 s0, $0xA;
	s2 =	sadd.s32 s3, s2  }
0x8d: {  	s2 =	sadd.s32 s2, s17  }
0x8e: {  	[smem:$0x3FBE] =	sst s2  }
0x8f: {  	_ = 	snop  }
0x90: {  	s2 =	sld [smem:$0x3FD0];
	(tm) =	ssettm $0x1  }
0x91: {  	s18 =	sld [smem:$0x3FFB];
	_ =	sdelay $0x3  }
0x92: {  	_ =	strace s18  }
0x93: {  	s3 =	sld [smem:$0x3FFC];
	_ =	sdelay $0x3  }
0x94: {  	_ =	strace s3  }
0x95: {  	s3 =	sld [smem:$0x3FFD];
	_ =	sdelay $0x3  }
0x96: {  	_ =	strace s3  }
0x97: {  	_ =	strace $0x8FFFFFFF  }
0x98: {  	s19 =	sld [smem:$0x3FDB];
	_ =	sdelay $0x1  }
0x99: {  	s4 =	simm.s32 $_scs_section_size  }
0x9a: {  	s5 =	simm.s32 $_size__tile_overlayer_lowered;
	s6 =	simm.s32 $_tile_overlayer_lowered  }
0x9b: {  	s22 =	simm.s32 $0x1BFF;
	s21 =	sshll.u32 s6, $0x1;
	s3 =	sadd.s32 s4, s19  }
0x9c: {  	s7 =	simm.s32 $0x0;
	s20 =	sshll.u32 s5, $0x1;
	s5 =	sadd.s32 s21, s3  }
0x9d: {  	[timem:s7], [sflag:s22] =	dma.local [hbm:s5], s20  }
0x9e: {  	_ =	swait.ge [sflag:s22], s20  }
0x9f: {  	s4 =	ssub.s32 $0x0, s20;
	[sflag:s22] =	ssyncset.done $0x0  }
0xa0: {  	[sflag:s22] =	ssyncadd.s32 s4;
	_ =	sdelay $0x1  }
0xa1: {  	s23 =	simm.s32 $0x1B8B  }
0xa2: {  	_ =	swait.ge [sflag:s23], $0x1  }
0xa3: {  	[sflag:s23] =	ssyncset.done $0x0  }
0xa4: {  	s25 =	simm.s32 $0x1B8E;
	s24 =	sld [smem:$0x3FFE];
	[sflag:s23] =	ssyncadd.s32 $0xFFFFFFFF  }
0xa5: {  	s26 =	simm.s32 $execute0_lowered;
	[smem:$0x3FD2] =	sst s25  }
0xa6: {  	s5 =	sshll.u32 s26, $0x1;
	_ =	strace $0x80000046;
	[dreg:$0x1] =	wrdreg $0xFFFFFFFF  }
0xa7: {  	s28 =	simm.s32 $_size_execute0_lowered;
	s3 =	sadd.s32 s3, s5;
	[dreg:$0x0] =	wrdreg $0x0  }
0xa8: {  	s5 =	sshll.u32 s28, $0x1;
	[dreg:$0x2] =	wrdreg s3  }
0xa9: {  	[dreg:$0x3] =	wrdreg s5  }
0xaa: {  	[dreg:$0x4] =	wrdreg $0xC0  }
0xab: {  	_ =	task [dreg:s7], $0x5FFFF  }
0xac: {  	[dreg:$0x1] =	wrdreg $0xFFFFFFFF  }
0xad: {  	[dreg:$0x0] =	wrdreg $0x60  }
0xae: {  	[dreg:$0x2] =	wrdreg s24  }
0xaf: {  	[dreg:$0x3] =	wrdreg s2  }
0xb0: {  	[dreg:$0x4] =	wrdreg $0x37A00  }
0xb1: {  	[dreg:$0x5] =	wrdreg $0x9  }
0xb2: {  	_ =	task.clear_ibuf [dreg:s7], $0x6FFFF;
	_ =	strace $0x90000046  }
0xb3: {  	s29 =	simm.s32 $0x9;
	_ =	strace $0x80000048  }
0xb4: {  	_ =	swait.ge [sflag:s29], $0x1  }
0xb5: {  	[sflag:s29] =	ssyncadd.s32 $0xFFFFFFFF  }
0xb6: {  	_ =	strace $0x90000048  }
0xb7: {  	_ =	sfence  }
0xb8: {  	s30 =	sld [smem:$0x0];
	_ =	sdelay $0x2  }
0xb9: {  	s31 =	sshll.u32 s1, $0xD;
	s1 =	sshrl.u32 s1, $0x2  }
0xba: {  	s3 =	sand.u32 $0x4000, s31;
	s1 =	sadd.s32 s1, s30  }
0xbb: {  	s0 =	sor.u32 s3, s0;
	s1 =	sshll.u32 s1, $0x11  }
0xbc: {  	s0 =	sor.u32 s1, s0  }
0xbd: {  	s0 =	sadd.s32 $0x8F2B, s0  }
0xbe: {  	[sflag:s0] =	ssyncadd.remote.s32 $0x1  }
0xbf: {  	_ =	sfence.sel $0xFFFF  }
0xc0: {  	[dreg:$0x0] =	wrdreg $0xFFFFFFFF;
	(pc) =	sbr.abs _section_cstart, $3  }
0xc1: {  	[dreg:$0x1] =	wrdreg $0xFFFFFFFF  }
0xc2: {  	_ =	task.clear_ibuf [dreg:s7], $0x2FFFF;
	_ =	strace $0x9FFFFFFF  }
0xc3: {  	(tm) =	ssettm $0x7FFFFFFF  }
tec
execute0_lowered:
.L_overlay_start_1:
0x0: {  	(tag) =	ssettag $0x1  }
0x1: {  	s9 =	rddreg [dreg:$0x0]  }
0x2: {  	s2 =	rddreg [dreg:$0x1]  }
0x3: {  	s3 =	rddreg [dreg:$0x2]  }
0x4: {  	s0 =	rddreg [dreg:$0x3];
	s5 =	srdreg.scid  }
0x5: {  	s1 =	stileid.u32;
	s4 =	simm.s32 $0x0;
	s15 =	simm.s32 $0x50  }
0x6: {  	s16 =	simm.s32 $0xA0;
	s17 =	simm.s32 $0x1EA0;
	s10 =	sand.u32 $0x1, s5  }
0x7: {  	s11 =	smul.u32 $0xC800, s1;
	[smem:$0x7FF] =	sst s4;
	s5 =	sadd.s32 $0x400, s9  }
0x8: {  	s6 =	sadd.s32 $0x19400, s9;
	s7 =	sadd.s32 $0x28200, s9;
	s31 =	sshll.u32 s1, $0x6  }
0x9: {  	s8 =	smul.u32 $0xC8000, s10;
	s13 =	ssub.s32 $0x2, s10;
	s29 =	sshll.u32 s10, $0x4  }
0xa: {  	_ =	strace $0x80000047;
	s14 =	sshrl.u32 s13, $0x1;
	s10 =	sor.u32 s1, s29  }
0xb: {  	s30 =	sadd.s32 s11, s3;
	s12 =	sadd.s32 s11, s8;
	s8 =	sadd.s32 $0x1E400, s9  }
0xc: {  	v0 =	vlaneseq.u32;
	s13 =	ssub.s32 s13, s14;
	s10 =	smul.u32 $0x2710, s10;
	s12 =	sshrl.u32 s12, $0x3  }
0xd: {  	v0 =	vshrl.u32 v0, $0x3;
	s14 =	simm.s32 $0x1;
	s12 =	sadd.s32 s12, s9;
	s9 =	sor.u32 $0x1C01, s31  }
0xe: {  	v1 =	vor.u32 $0x2, v0;
	v2 =	vor.u32 $0x4, v0;
	v3 =	vor.u32 $0x6, v0;
	s11 =	sadd.s32 $0x32000, s12;
	s12 =	smax.u32 s13, $0x1;
	s13 =	sshrl.u32 s30, $0x3  }
.LBB2_1:
0xf: {  	[spmem:s13], [sflag:s9] =	dma.local [hbm:s2], $0x1900  }
0x10: {  	_ =	swait.ge [sflag:s14], $0x1900  }
0x11: {  	[sflag:s14] =	ssyncset.done $0x0  }
0x12: {  	[sflag:s14] =	ssyncadd.s32 $0xFFFFE700  }
0x13: {  	s18 =	simm.s32 $0x0;
	[bflag:$0x0] =	sbarrier.arrive $0xFFFF  }
.LBB2_2:
0x14: {  	s19 =	smul.u32 $0x50, s18;
	_ =	sdelay $0x1  }
0x15: {  	s19 =	sadd.s32 s10, s19  }
0x16: {  	s19 =	sshrl.u32 s19, $0x3  }
0x17: {  	s21 =	simm.s32 $0x0;
	s20 =	sadd.s32 s7, s19  }
0x18: {  	[tilespmem:s21], [sflag:$0x1] =	stream.linear.gather [hbm4b:s20+s21], $0x50, $0x38;
	[tilespmem:$0xFFA0] =	vst v63  }
0x19: {  	_ =	swait.ge [sflag:s14], $0x50  }
0x1a: {  	[sflag:s14] =	ssyncset.done $0x0  }
0x1b: {  	s19 =	sadd.s32 s8, s19;
	[sflag:s14] =	ssyncadd.s32 $0xFFFFFFB0  }
0x1c: {  	[tilespmem:s15], [sflag:$0x1] =	stream.linear.gather [hbm4b:s19+s21], $0x50, $0x38;
	[tilespmem:$0xFFA0] =	vst v63  }
0x1d: {  	_ =	swait.ge [sflag:s14], $0x50  }
0x1e: {  	[sflag:s14] =	ssyncset.done $0x0  }
0x1f: {  	[sflag:s14] =	ssyncadd.s32 $0xFFFFFFB0  }
0x20: {  	[tilespmem:s16], [sflag:$0x1] =	stream.indirect.gather [hbm4b:s5+s15], $0x50, s21, s15, $0xb8;
	[tilespmem:$0xFFA0] =	vst v63  }
0x21: {  	_ =	swait.ge [sflag:s14], $0x1900  }
0x22: {  	[sflag:s14] =	ssyncset.done $0x0  }
0x23: {  	s20 =	simm.s32 $0x19A0;
	[sflag:s14] =	ssyncadd.s32 $0xFFFFE700  }
0x24: {  	[tilespmem:s20], [sflag:$0x1] =	stream.indirect.gather [hbm4b:s6+s15], $0x10, s15, s15, $0xb8;
	[tilespmem:$0xFFA0] =	vst v63  }
0x25: {  	_ =	swait.ge [sflag:s14], $0x500  }
0x26: {  	[sflag:s14] =	ssyncset.done $0x0  }
0x27: {  	s19 =	simm.s32 $0x0;
	[sflag:s14] =	ssyncadd.s32 $0xFFFFFB00  }
0x28: {  	s21 =	simm.s32 $0x140;
	v4 =	vld [tilespmem:s19+$0xA0]  }
.LBB2_3:
0x29: {  	p0 =	sne.s32 s21, $0x62C0;
	v5 =	vld [tilespmem:s20+$0x0];
	_ =	sdelay $0x4  }
0x2a: {  	v4 =	vadd.f32 v5, v4;
	_ =	sdelay $0x1  }
0x2b: {  	v5 =	vmul.f32 $2.000000030e-01, v4  }
0x2c: {  	vm0 =	vlt.f32 v4, $0.0e+00  }
0x2d: {  	v4 =	vsel vm0, v5, v4  }
0x2e: {  	v4 =	vmul.f32 $1.442695020e+00, v4;
	_ =	sdelay $0x1  }
0x2f: {  	(erf) = vpow2.f32 v4;
	_ =	sdelay $0x4  }
0x30: {  	v4 =	vld [tilespmem:s19+$0xB0]  }
0x31: {  	v5 =	vld [tilespmem:s19+$0xC0]  }
0x32: {  	v6 =	vld [tilespmem:s19+$0xD0]  }
0x33: {  	v7 =	vld [tilespmem:s19+$0xE0]  }
0x34: {  	v8 =	vpop (erf)  }
0x35: {  	[tilespmem:s19+$0x1EA0] =	vst v8;
	v9 =	vperm.xlane v8, v0;
	v10 =	vperm.xlane v8, v1  }
0x36: {  	v11 =	vperm.xlane v8, v2;
	v8 =	vperm.xlane v8, v3  }
0x37: {  	v4 =	vmul.f32 v4, v9;
	v5 =	vmul.f32 v5, v10  }
.Ltmp0:
0x38: {  	v6 =	vmul.f32 v6, v11;
	v7 =	vmul.f32 v7, v8;
	(pc) =	sbr.rel @p0 .LBB2_3-.Ltmp0, $4  }
0x39: {  	[tilespmem:s19+$0x1EB0] =	vst v4  }
0x3a: {  	[tilespmem:s19+$0x1EC0] =	vst v5  }
0x3b: {  	s22 =	sshra.s32 s21, $0x2;
	[tilespmem:s19+$0x1ED0] =	vst v6  }
0x3c: {  	s21 =	sadd.s32 $0x140, s21;
	s20 =	sadd.s32 $0x10, s20;
	v4 =	vld [tilespmem:s22+$0xA0];
	[tilespmem:s19+$0x1EE0] =	vst v7;
	s19 =	smov.u32 s22  }
0x3d: {  	v5 =	vld [tilespmem:s20+$0x0];
	_ =	sdelay $0x4  }
0x3e: {  	v4 =	vadd.f32 v5, v4;
	_ =	sdelay $0x1  }
0x3f: {  	v5 =	vmul.f32 $2.000000030e-01, v4  }
0x40: {  	vm0 =	vlt.f32 v4, $0.0e+00  }
0x41: {  	v4 =	vsel vm0, v5, v4  }
0x42: {  	v4 =	vmul.f32 $1.442695020e+00, v4;
	_ =	sdelay $0x1  }
0x43: {  	(erf) = vpow2.f32 v4;
	_ =	sdelay $0x6  }
0x44: {  	v4 =	vld [tilespmem:s19+$0xB0]  }
0x45: {  	v5 =	vld [tilespmem:s19+$0xC0]  }
0x46: {  	v6 =	vld [tilespmem:s19+$0xD0];
	v7 =	vpop (erf)  }
0x47: {  	v8 =	vld [tilespmem:s19+$0xE0];
	v9 =	vperm.xlane v7, v0  }
0x48: {  	v10 =	vperm.xlane v7, v1  }
0x49: {  	v11 =	vperm.xlane v7, v2;
	v4 =	vmul.f32 v4, v9  }
0x4a: {  	[tilespmem:s19+$0x1EA0] =	vst v7;
	v7 =	vperm.xlane v7, v3;
	v5 =	vmul.f32 v5, v10  }
0x4b: {  	v6 =	vmul.f32 v6, v11;
	[tilespmem:s19+$0x1EB0] =	vst v4  }
0x4c: {  	s18 =	sadd.s32 $0x1, s18;
	v4 =	vmul.f32 v8, v7;
	[tilespmem:s19+$0x1EC0] =	vst v5  }
0x4d: {  	p0 =	sne.s32 s18, $0x7D;
	[tilespmem:s19+$0x1ED0] =	vst v6  }
.Ltmp1:
0x4e: {  	[tilespmem:s19+$0x1EE0] =	vst v4;
	(pc) =	sbr.rel @p0 .LBB2_2-.Ltmp1, $4  }
0x4f: {  	[spmem:s3] =	stream.indirect.scatter.add.f32 [tilespmem:s17], [sflag:$0x1], $0x50, s15, s15, $0xb8;
	[tilespmem:$0xFFA0] =	vst v63  }
0x50: {  	_ =	swait.ge [sflag:s14], $0x1900  }
0x51: {  	[sflag:s14] =	ssyncset.done $0x0  }
0x52: {  	[sflag:s14] =	ssyncadd.s32 $0xFFFFE700  }
0x53: {  	s4 =	sadd.s32 $0x1, s4  }
0x54: {  	p0 =	sne.s32 s4, s12  }
.Ltmp2:
0x55: {  	[bflag:$0x0] =	sbarrier.arrive $0xFFFF;
	(pc) =	sbr.rel @p0 .LBB2_1-.Ltmp2, $4  }
0x56: {  	[hbm:s11], [sflag:s9] =	dma.local [spmem:s13], $0x1900  }
0x57: {  	_ =	swait.ge [sflag:s14], $0x1900  }
0x58: {  	[sflag:s14] =	ssyncset.done $0x0  }
0x59: {  	[sflag:s14] =	ssyncadd.s32 $0xFFFFE700  }
0x5a: {  	_ =	sfence.sel $0x180000  }
0x5b: {  	[bflag:$0x0] =	sbarrier.arrive $0xFFFF  }
0x5c: {  	p0 =	sne.s32 s1, $0x0;
	_ =	strace $0x90000047  }
0x5d: {  	s0 =	sadd.s32 @!p0 $0x100000, s0;
	[bflag:$0x2] =	sbarrier.arrive $0xFFFF  }
0x5e: {  	[sflag:s0] =	ssyncadd.tile.s32 @!p0 $0x1;
	_ =	shalt  }
.Lfunc_end2:
_tile_overlayer_lowered:
.L_overlay_start_2:
0x5f: {  	(tag) =	ssettag $0x2  }
0x60: {  	s0 =	rddreg [dreg:$0x0];
	s2 =	stileid.u32  }
0x61: {  	s1 =	rddreg [dreg:$0x1];
	p0 =	sne.s32 s2, $0x0  }
0x62: {  	s3 =	rddreg [dreg:$0x2];
	[bflag:$0x3] =	sbarrier.arrive $0xFFFF;
	s2 =	simm.s32 @!p0 $0x1C01  }
0x63: {  	[timem:s3], [sflag:s2] =	dma.local @!p0 [hbm:s0], s1  }
0x64: {  	s0 =	simm.s32 @!p0 $0x1  }
0x65: {  	_ =	swait.ge @!p0 [sflag:s0], s1  }
0x66: {  	s1 =	ssub.s32 @!p0 $0x0, s1;
	[sflag:s0] =	ssyncset.done @!p0 $0x0  }
0x67: {  	[sflag:s0] =	ssyncadd.s32 @!p0 s1  }
0x68: {  	[bflag:$0x3] =	sbarrier.arrive $0xFFFF  }
0x69: {  	_ =	shalt  }

</sc_bundles>
